<compile_context>
chip_gen: v7x
topology: tpu7x:2x2x1
jax: 0.10.2.dev20260603
libtpu: 0.0.44.dev20260713+nightly
codegen_flags: <defaults>
</compile_context>

<pallas_src>
import functools

import jax
import jax.numpy as jnp
from jax import lax
from jax.experimental import pallas as pl
from jax.experimental.pallas import tpu as pltpu
from jax.experimental.pallas import tpu_sc as plsc

_NC = 2
_NS = 16
_NW = _NC * _NS
_LANES = 16
_NBUF = 4
_HGS = ((0, 104), (104, 96))


@functools.lru_cache(maxsize=None)
def _make_sc_gather(V, D, B, H):
    b_per_w = B // _NW
    scale = float(D) ** 0.5
    mesh = plsc.VectorSubcoreMesh(core_axis_name="c", subcore_axis_name="s")

    @functools.partial(
        pl.kernel,
        mesh=mesh,
        out_type=jax.ShapeDtypeStruct((B, H, D), jnp.float32),
        scratch_types=[
            pltpu.VMEM((b_per_w, H), jnp.int32),
            pltpu.VMEM((_NBUF, H, D), jnp.float32),
            pltpu.SemaphoreType.DMA((_NBUF,)),
            pltpu.SemaphoreType.DMA((_NBUF,)),
        ],
        compiler_params=pltpu.CompilerParams(use_tc_tiling_on_sc=False),
    )
    def sc_kernel(x_hbm, table_hbm, out_hbm, idx_v, rows_v, gsem, wsem):
        wid = lax.axis_index("s") * _NC + lax.axis_index("c")
        base = wid * b_per_w
        pltpu.sync_copy(x_hbm.at[pl.ds(base, b_per_w)], idx_v)

        def gather_start(bl, s):
            for off, n in _HGS:
                pltpu.async_copy(
                    table_hbm.at[idx_v.at[bl, pl.ds(off, n)]],
                    rows_v.at[s, pl.ds(off, n)], gsem.at[s])

        def gather_wait(bl, s):
            for off, n in _HGS:
                pltpu.make_async_copy(
                    table_hbm.at[idx_v.at[bl, pl.ds(off, n)]],
                    rows_v.at[s, pl.ds(off, n)], gsem.at[s]).wait()

        def write_start(bl, s):
            pltpu.async_copy(rows_v.at[s], out_hbm.at[base + bl], wsem.at[s])

        def write_wait(s):
            pltpu.make_async_copy(rows_v.at[s], out_hbm.at[0],
                                  wsem.at[s]).wait()

        for s in range(_NBUF - 1):
            gather_start(s, s)

        @pl.loop(0, b_per_w, step=_NBUF)
        def _group(b0):
            for j in range(_NBUF):
                bl = b0 + j
                s = j
                s2 = (j + _NBUF - 1) % _NBUF
                bn = bl + _NBUF - 1

                @pl.when(bn < b_per_w)
                def _():
                    @pl.when(bl > 0)
                    def _():
                        write_wait(s2)
                    gather_start(bn, s2)

                gather_wait(bl, s)

                @plsc.parallel_loop(0, H, unroll=4)
                def _row(r):
                    for c in range(D // _LANES):
                        sl = pl.ds(c * _LANES, _LANES)
                        rows_v[s, r, sl] = rows_v[s, r, sl] * scale

                write_start(bl, s)

        for s in range(_NBUF):
            write_wait(s)

    return sc_kernel


def kernel(x, table):
    B, H = x.shape
    V, D = table.shape
    sc = _make_sc_gather(V, D, B, H)
    return sc(x.astype(jnp.int32), table)

# --- scband reference (transcript-rebuilt; emitter-appended) ---
"""Pipeline reference for scband-token-embedding-63230508532470 (READ-ONLY COPY).

The authoritative reference and input builder live on the scoring server;
editing this copy changes nothing except your own understanding.
"""

import jax, jax.numpy as jnp
import numpy as np

VOCAB = 1000000
EMB_DIM = 64
BATCH = 4096
HIST = 200

def setup_inputs(seed: int = 0) -> dict:
    key = jax.random.key(seed)
    k1, k2 = jax.random.split(key)
    x = jax.random.randint(k1, (BATCH, HIST), 0, VOCAB, dtype=jnp.int64 if jax.config.jax_enable_x64 else jnp.int32)
    table = jax.random.normal(k2, (VOCAB, EMB_DIM), dtype=jnp.float32)
    return {"x": x, "table": table}

def reference(x, table):
    scale = jnp.sqrt(jnp.float32(EMB_DIM))
    out = jnp.take(table, x, axis=0)
    out = out * scale
    return out

if __name__ == "__main__":
    import jax
    _d = setup_inputs()
    print(jax.jit(kernel)(*tuple(_d.values())))

</pallas_src>

<mosaic_0001>
#map = affine_map<(d0, d1) -> (0, 0)>
#map1 = affine_map<(d0, d1) -> (0, 0, 0)>
module attributes {stable_mosaic.version = 14 : i64} {
  func.func @sc_kernel(%arg0: i32, %arg1: i32, %arg2: memref<4096x200xi32, #tpu.memory_space<hbm>>, %arg3: memref<1000000x64xf32, #tpu.memory_space<hbm>>, %arg4: memref<4096x200x64xf32, #tpu.memory_space<hbm>>, %arg5: memref<128x200xi32, #tpu.memory_space<vmem>>, %arg6: memref<4x200x64xf32, #tpu.memory_space<vmem>>, %arg7: memref<4x!tpu.dma_semaphore, #tpu.memory_space<semaphore_mem>>, %arg8: memref<4x!tpu.dma_semaphore, #tpu.memory_space<semaphore_mem>>) attributes {dimension_semantics = [#tpu.dimension_semantics<core_parallel>, #tpu.dimension_semantics<subcore_parallel>], iteration_bounds = array<i64: 2, 16>, scalar_prefetch = 0 : i64, scratch_operands = 4 : i64, tpu.core_type = #tpu.core_type<sc_vector_subcore>, window_params = [{transform_indices = #map}, {transform_indices = #map}, {transform_indices = #map1}]} {
    %mul3A = arith.constant 2 : i32
    %mul3A_0 = arith.muli %arg1, %mul3A : i32
    %add3A = arith.addi %mul3A_0, %arg0 : i32
    %mul3A_1 = arith.constant 128 : i32
    %mul3A_2 = arith.muli %add3A, %mul3A_1 : i32
    "tpu.region"() ({
      %run_scoped3A = tpu.sem_alloc : memref<!tpu.dma_semaphore, #tpu.memory_space<semaphore_mem>>
      %dma_start3A_179 = arith.constant 0 : i32
      %dma_start3A_180 = tpu.memref_slice %arg2[%mul3A_2, %dma_start3A_179] : memref<4096x200xi32, #tpu.memory_space<hbm>> -> memref<128x200xi32, #tpu.memory_space<hbm>>
      %dma_start3A_181 = arith.constant 0 : i32
      %dma_start3A_182 = tpu.memref_slice %arg2[%mul3A_2, %dma_start3A_181] : memref<4096x200xi32, #tpu.memory_space<hbm>> -> memref<128x200xi32, #tpu.memory_space<hbm>>
      tpu.enqueue_dma source(%dma_start3A_182 : memref<128x200xi32, #tpu.memory_space<hbm>>) target(%arg5 : memref<128x200xi32, #tpu.memory_space<vmem>>) target_semaphore(%run_scoped3A : memref<!tpu.dma_semaphore, #tpu.memory_space<semaphore_mem>>)
      %dma_wait3A_183 = arith.constant 0 : i32
      %dma_wait3A_184 = tpu.memref_slice %arg2[%mul3A_2, %dma_wait3A_183] : memref<4096x200xi32, #tpu.memory_space<hbm>> -> memref<128x200xi32, #tpu.memory_space<hbm>>
      %dma_wait3A_185 = arith.constant 0 : i32
      %dma_wait3A_186 = tpu.memref_slice %arg2[%mul3A_2, %dma_wait3A_185] : memref<4096x200xi32, #tpu.memory_space<hbm>> -> memref<128x200xi32, #tpu.memory_space<hbm>>
      tpu.wait_dma2 semaphore(%run_scoped3A : memref<!tpu.dma_semaphore, #tpu.memory_space<semaphore_mem>>) src(%dma_wait3A_186 : memref<128x200xi32, #tpu.memory_space<hbm>>) dst(%arg5 : memref<128x200xi32, #tpu.memory_space<vmem>>)
      tpu.yield
    }) : () -> ()
    %dma_start3A = arith.constant 0 : i32
    %dma_start3A_3 = arith.constant 0 : i32
    %dma_start3A_4 = arith.constant 0 : i32
    %dma_start3A_5 = arith.constant 0 : i32
    %dma_start3A_6 = arith.constant 0 : i32
    %dma_start3A_7 = tpu.memref_slice %arg6[%dma_start3A_3, %dma_start3A_5, %dma_start3A_6] : memref<4x200x64xf32, #tpu.memory_space<vmem>> -> memref<1x104x64xf32, #tpu.memory_space<vmem>>
    %dma_start3A_8 = tpu.memref_squeeze %dma_start3A_7 : memref<1x104x64xf32, #tpu.memory_space<vmem>> -> memref<104x64xf32, #tpu.memory_space<vmem>>
    %dma_start3A_9 = arith.constant 0 : i32
    %dma_start3A_10 = tpu.memref_slice %arg5[%dma_start3A, %dma_start3A_9] : memref<128x200xi32, #tpu.memory_space<vmem>> -> memref<1x104xi32, #tpu.memory_space<vmem>>
    %dma_start3A_11 = tpu.memref_squeeze %dma_start3A_10 : memref<1x104xi32, #tpu.memory_space<vmem>> -> memref<104xi32, #tpu.memory_space<vmem>>
    %dma_start3A_12 = arith.constant 0 : i32
    %dma_start3A_13 = arith.constant 0 : i32
    %dma_start3A_14 = tpu.memref_slice %arg3[%dma_start3A_12, %dma_start3A_13] : memref<1000000x64xf32, #tpu.memory_space<hbm>> -> memref<1000000x64xf32, #tpu.memory_space<hbm>>
    %dma_start3A_15 = tpu.memref_slice %arg7[%dma_start3A_4] : memref<4x!tpu.dma_semaphore, #tpu.memory_space<semaphore_mem>> -> memref<1x!tpu.dma_semaphore, #tpu.memory_space<semaphore_mem>>
    %dma_start3A_16 = tpu.memref_squeeze %dma_start3A_15 : memref<1x!tpu.dma_semaphore, #tpu.memory_space<semaphore_mem>> -> memref<!tpu.dma_semaphore, #tpu.memory_space<semaphore_mem>>
    tpu.enqueue_indirect_dma source(%dma_start3A_14 : memref<1000000x64xf32, #tpu.memory_space<hbm>>) target(%dma_start3A_8 : memref<104x64xf32, #tpu.memory_space<vmem>>) offsets(%dma_start3A_11 : memref<104xi32, #tpu.memory_space<vmem>>) semaphore(%dma_start3A_16 : memref<!tpu.dma_semaphore, #tpu.memory_space<semaphore_mem>>)
    %dma_start3A_17 = arith.constant 0 : i32
    %dma_start3A_18 = arith.constant 0 : i32
    %dma_start3A_19 = arith.constant 0 : i32
    %dma_start3A_20 = arith.constant 104 : i32
    %dma_start3A_21 = arith.constant 0 : i32
    %dma_start3A_22 = tpu.memref_slice %arg6[%dma_start3A_18, %dma_start3A_20, %dma_start3A_21] : memref<4x200x64xf32, #tpu.memory_space<vmem>> -> memref<1x96x64xf32, #tpu.memory_space<vmem>>
    %dma_start3A_23 = tpu.memref_squeeze %dma_start3A_22 : memref<1x96x64xf32, #tpu.memory_space<vmem>> -> memref<96x64xf32, #tpu.memory_space<vmem>>
    %dma_start3A_24 = arith.constant 104 : i32
    %dma_start3A_25 = tpu.memref_slice %arg5[%dma_start3A_17, %dma_start3A_24] : memref<128x200xi32, #tpu.memory_space<vmem>> -> memref<1x96xi32, #tpu.memory_space<vmem>>
    %dma_start3A_26 = tpu.memref_squeeze %dma_start3A_25 : memref<1x96xi32, #tpu.memory_space<vmem>> -> memref<96xi32, #tpu.memory_space<vmem>>
    %dma_start3A_27 = arith.constant 0 : i32
    %dma_start3A_28 = arith.constant 0 : i32
    %dma_start3A_29 = tpu.memref_slice %arg3[%dma_start3A_27, %dma_start3A_28] : memref<1000000x64xf32, #tpu.memory_space<hbm>> -> memref<1000000x64xf32, #tpu.memory_space<hbm>>
    %dma_start3A_30 = tpu.memref_slice %arg7[%dma_start3A_19] : memref<4x!tpu.dma_semaphore, #tpu.memory_space<semaphore_mem>> -> memref<1x!tpu.dma_semaphore, #tpu.memory_space<semaphore_mem>>
    %dma_start3A_31 = tpu.memref_squeeze %dma_start3A_30 : memref<1x!tpu.dma_semaphore, #tpu.memory_space<semaphore_mem>> -> memref<!tpu.dma_semaphore, #tpu.memory_space<semaphore_mem>>
    tpu.enqueue_indirect_dma source(%dma_start3A_29 : memref<1000000x64xf32, #tpu.memory_space<hbm>>) target(%dma_start3A_23 : memref<96x64xf32, #tpu.memory_space<vmem>>) offsets(%dma_start3A_26 : memref<96xi32, #tpu.memory_space<vmem>>) semaphore(%dma_start3A_31 : memref<!tpu.dma_semaphore, #tpu.memory_space<semaphore_mem>>)
    %dma_start3A_32 = arith.constant 1 : i32
    %dma_start3A_33 = arith.constant 1 : i32
    %dma_start3A_34 = arith.constant 1 : i32
    %dma_start3A_35 = arith.constant 0 : i32
    %dma_start3A_36 = arith.constant 0 : i32
    %dma_start3A_37 = tpu.memref_slice %arg6[%dma_start3A_33, %dma_start3A_35, %dma_start3A_36] : memref<4x200x64xf32, #tpu.memory_space<vmem>> -> memref<1x104x64xf32, #tpu.memory_space<vmem>>
    %dma_start3A_38 = tpu.memref_squeeze %dma_start3A_37 : memref<1x104x64xf32, #tpu.memory_space<vmem>> -> memref<104x64xf32, #tpu.memory_space<vmem>>
    %dma_start3A_39 = arith.constant 0 : i32
    %dma_start3A_40 = tpu.memref_slice %arg5[%dma_start3A_32, %dma_start3A_39] : memref<128x200xi32, #tpu.memory_space<vmem>> -> memref<1x104xi32, #tpu.memory_space<vmem>>
    %dma_start3A_41 = tpu.memref_squeeze %dma_start3A_40 : memref<1x104xi32, #tpu.memory_space<vmem>> -> memref<104xi32, #tpu.memory_space<vmem>>
    %dma_start3A_42 = arith.constant 0 : i32
    %dma_start3A_43 = arith.constant 0 : i32
    %dma_start3A_44 = tpu.memref_slice %arg3[%dma_start3A_42, %dma_start3A_43] : memref<1000000x64xf32, #tpu.memory_space<hbm>> -> memref<1000000x64xf32, #tpu.memory_space<hbm>>
    %dma_start3A_45 = tpu.memref_slice %arg7[%dma_start3A_34] : memref<4x!tpu.dma_semaphore, #tpu.memory_space<semaphore_mem>> -> memref<1x!tpu.dma_semaphore, #tpu.memory_space<semaphore_mem>>
    %dma_start3A_46 = tpu.memref_squeeze %dma_start3A_45 : memref<1x!tpu.dma_semaphore, #tpu.memory_space<semaphore_mem>> -> memref<!tpu.dma_semaphore, #tpu.memory_space<semaphore_mem>>
    tpu.enqueue_indirect_dma source(%dma_start3A_44 : memref<1000000x64xf32, #tpu.memory_space<hbm>>) target(%dma_start3A_38 : memref<104x64xf32, #tpu.memory_space<vmem>>) offsets(%dma_start3A_41 : memref<104xi32, #tpu.memory_space<vmem>>) semaphore(%dma_start3A_46 : memref<!tpu.dma_semaphore, #tpu.memory_space<semaphore_mem>>)
    %dma_start3A_47 = arith.constant 1 : i32
    %dma_start3A_48 = arith.constant 1 : i32
    %dma_start3A_49 = arith.constant 1 : i32
    %dma_start3A_50 = arith.constant 104 : i32
    %dma_start3A_51 = arith.constant 0 : i32
    %dma_start3A_52 = tpu.memref_slice %arg6[%dma_start3A_48, %dma_start3A_50, %dma_start3A_51] : memref<4x200x64xf32, #tpu.memory_space<vmem>> -> memref<1x96x64xf32, #tpu.memory_space<vmem>>
    %dma_start3A_53 = tpu.memref_squeeze %dma_start3A_52 : memref<1x96x64xf32, #tpu.memory_space<vmem>> -> memref<96x64xf32, #tpu.memory_space<vmem>>
    %dma_start3A_54 = arith.constant 104 : i32
    %dma_start3A_55 = tpu.memref_slice %arg5[%dma_start3A_47, %dma_start3A_54] : memref<128x200xi32, #tpu.memory_space<vmem>> -> memref<1x96xi32, #tpu.memory_space<vmem>>
    %dma_start3A_56 = tpu.memref_squeeze %dma_start3A_55 : memref<1x96xi32, #tpu.memory_space<vmem>> -> memref<96xi32, #tpu.memory_space<vmem>>
    %dma_start3A_57 = arith.constant 0 : i32
    %dma_start3A_58 = arith.constant 0 : i32
    %dma_start3A_59 = tpu.memref_slice %arg3[%dma_start3A_57, %dma_start3A_58] : memref<1000000x64xf32, #tpu.memory_space<hbm>> -> memref<1000000x64xf32, #tpu.memory_space<hbm>>
    %dma_start3A_60 = tpu.memref_slice %arg7[%dma_start3A_49] : memref<4x!tpu.dma_semaphore, #tpu.memory_space<semaphore_mem>> -> memref<1x!tpu.dma_semaphore, #tpu.memory_space<semaphore_mem>>
    %dma_start3A_61 = tpu.memref_squeeze %dma_start3A_60 : memref<1x!tpu.dma_semaphore, #tpu.memory_space<semaphore_mem>> -> memref<!tpu.dma_semaphore, #tpu.memory_space<semaphore_mem>>
    tpu.enqueue_indirect_dma source(%dma_start3A_59 : memref<1000000x64xf32, #tpu.memory_space<hbm>>) target(%dma_start3A_53 : memref<96x64xf32, #tpu.memory_space<vmem>>) offsets(%dma_start3A_56 : memref<96xi32, #tpu.memory_space<vmem>>) semaphore(%dma_start3A_61 : memref<!tpu.dma_semaphore, #tpu.memory_space<semaphore_mem>>)
    %dma_start3A_62 = arith.constant 2 : i32
    %dma_start3A_63 = arith.constant 2 : i32
    %dma_start3A_64 = arith.constant 2 : i32
    %dma_start3A_65 = arith.constant 0 : i32
    %dma_start3A_66 = arith.constant 0 : i32
    %dma_start3A_67 = tpu.memref_slice %arg6[%dma_start3A_63, %dma_start3A_65, %dma_start3A_66] : memref<4x200x64xf32, #tpu.memory_space<vmem>> -> memref<1x104x64xf32, #tpu.memory_space<vmem>>
    %dma_start3A_68 = tpu.memref_squeeze %dma_start3A_67 : memref<1x104x64xf32, #tpu.memory_space<vmem>> -> memref<104x64xf32, #tpu.memory_space<vmem>>
    %dma_start3A_69 = arith.constant 0 : i32
    %dma_start3A_70 = tpu.memref_slice %arg5[%dma_start3A_62, %dma_start3A_69] : memref<128x200xi32, #tpu.memory_space<vmem>> -> memref<1x104xi32, #tpu.memory_space<vmem>>
    %dma_start3A_71 = tpu.memref_squeeze %dma_start3A_70 : memref<1x104xi32, #tpu.memory_space<vmem>> -> memref<104xi32, #tpu.memory_space<vmem>>
    %dma_start3A_72 = arith.constant 0 : i32
    %dma_start3A_73 = arith.constant 0 : i32
    %dma_start3A_74 = tpu.memref_slice %arg3[%dma_start3A_72, %dma_start3A_73] : memref<1000000x64xf32, #tpu.memory_space<hbm>> -> memref<1000000x64xf32, #tpu.memory_space<hbm>>
    %dma_start3A_75 = tpu.memref_slice %arg7[%dma_start3A_64] : memref<4x!tpu.dma_semaphore, #tpu.memory_space<semaphore_mem>> -> memref<1x!tpu.dma_semaphore, #tpu.memory_space<semaphore_mem>>
    %dma_start3A_76 = tpu.memref_squeeze %dma_start3A_75 : memref<1x!tpu.dma_semaphore, #tpu.memory_space<semaphore_mem>> -> memref<!tpu.dma_semaphore, #tpu.memory_space<semaphore_mem>>
    tpu.enqueue_indirect_dma source(%dma_start3A_74 : memref<1000000x64xf32, #tpu.memory_space<hbm>>) target(%dma_start3A_68 : memref<104x64xf32, #tpu.memory_space<vmem>>) offsets(%dma_start3A_71 : memref<104xi32, #tpu.memory_space<vmem>>) semaphore(%dma_start3A_76 : memref<!tpu.dma_semaphore, #tpu.memory_space<semaphore_mem>>)
    %dma_start3A_77 = arith.constant 2 : i32
    %dma_start3A_78 = arith.constant 2 : i32
    %dma_start3A_79 = arith.constant 2 : i32
    %dma_start3A_80 = arith.constant 104 : i32
    %dma_start3A_81 = arith.constant 0 : i32
    %dma_start3A_82 = tpu.memref_slice %arg6[%dma_start3A_78, %dma_start3A_80, %dma_start3A_81] : memref<4x200x64xf32, #tpu.memory_space<vmem>> -> memref<1x96x64xf32, #tpu.memory_space<vmem>>
    %dma_start3A_83 = tpu.memref_squeeze %dma_start3A_82 : memref<1x96x64xf32, #tpu.memory_space<vmem>> -> memref<96x64xf32, #tpu.memory_space<vmem>>
    %dma_start3A_84 = arith.constant 104 : i32
    %dma_start3A_85 = tpu.memref_slice %arg5[%dma_start3A_77, %dma_start3A_84] : memref<128x200xi32, #tpu.memory_space<vmem>> -> memref<1x96xi32, #tpu.memory_space<vmem>>
    %dma_start3A_86 = tpu.memref_squeeze %dma_start3A_85 : memref<1x96xi32, #tpu.memory_space<vmem>> -> memref<96xi32, #tpu.memory_space<vmem>>
    %dma_start3A_87 = arith.constant 0 : i32
    %dma_start3A_88 = arith.constant 0 : i32
    %dma_start3A_89 = tpu.memref_slice %arg3[%dma_start3A_87, %dma_start3A_88] : memref<1000000x64xf32, #tpu.memory_space<hbm>> -> memref<1000000x64xf32, #tpu.memory_space<hbm>>
    %dma_start3A_90 = tpu.memref_slice %arg7[%dma_start3A_79] : memref<4x!tpu.dma_semaphore, #tpu.memory_space<semaphore_mem>> -> memref<1x!tpu.dma_semaphore, #tpu.memory_space<semaphore_mem>>
    %dma_start3A_91 = tpu.memref_squeeze %dma_start3A_90 : memref<1x!tpu.dma_semaphore, #tpu.memory_space<semaphore_mem>> -> memref<!tpu.dma_semaphore, #tpu.memory_space<semaphore_mem>>
    tpu.enqueue_indirect_dma source(%dma_start3A_89 : memref<1000000x64xf32, #tpu.memory_space<hbm>>) target(%dma_start3A_83 : memref<96x64xf32, #tpu.memory_space<vmem>>) offsets(%dma_start3A_86 : memref<96xi32, #tpu.memory_space<vmem>>) semaphore(%dma_start3A_91 : memref<!tpu.dma_semaphore, #tpu.memory_space<semaphore_mem>>)
    %scan3A = arith.constant 0 : i32
    %scan3A_92 = arith.constant 32 : i32
    %scan3A_93 = arith.addi %scan3A, %scan3A_92 : i32
    %scan3A_94 = arith.constant 1 : i32
    scf.for %scan3A_179 = %scan3A to %scan3A_93 step %scan3A_94  : i32 {
      %mul3A_180 = arith.constant 4 : i32
      %mul3A_181 = arith.muli %scan3A_179, %mul3A_180 : i32
      %add3A_182 = arith.constant 0 : i32
      %add3A_183 = arith.addi %add3A_182, %mul3A_181 : i32
      %add3A_184 = arith.constant 0 : i32
      %add3A_185 = arith.addi %add3A_183, %add3A_184 : i32
      %add3A_186 = arith.constant 4 : i32
      %add3A_187 = arith.addi %add3A_185, %add3A_186 : i32
      %sub3A = arith.constant 1 : i32
      %sub3A_188 = arith.subi %add3A_187, %sub3A : i32
      %lt3A = arith.constant 128 : i32
      %lt3A_189 = arith.cmpi slt, %sub3A_188, %lt3A : i32
      %convert_element_type3A = arith.extui %lt3A_189 : i1 to i32
      %cond3A = arith.constant 0 : i32
      %cond3A_190 = arith.cmpi ne, %convert_element_type3A, %cond3A : i32
      scf.if %cond3A_190 {
        %gt3A = arith.constant 0 : i32
        %gt3A_431 = arith.cmpi sgt, %add3A_185, %gt3A : i32
        %convert_element_type3A_432 = arith.extui %gt3A_431 : i1 to i32
        %cond3A_433 = arith.constant 0 : i32
        %cond3A_434 = arith.cmpi ne, %convert_element_type3A_432, %cond3A_433 : i32
        scf.if %cond3A_434 {
          %dma_wait3A_463 = arith.constant 3 : i32
          %dma_wait3A_464 = arith.constant 0 : i32
          %dma_wait3A_465 = arith.constant 3 : i32
          %dma_wait3A_466 = arith.constant 0 : i32
          %dma_wait3A_467 = arith.constant 0 : i32
          %dma_wait3A_468 = tpu.memref_slice %arg6[%dma_wait3A_463, %dma_wait3A_466, %dma_wait3A_467] : memref<4x200x64xf32, #tpu.memory_space<vmem>> -> memref<1x200x64xf32, #tpu.memory_space<vmem>>
          %dma_wait3A_469 = tpu.memref_squeeze %dma_wait3A_468 : memref<1x200x64xf32, #tpu.memory_space<vmem>> -> memref<200x64xf32, #tpu.memory_space<vmem>>
          %dma_wait3A_470 = arith.constant 0 : i32
          %dma_wait3A_471 = arith.constant 0 : i32
          %dma_wait3A_472 = tpu.memref_slice %arg4[%dma_wait3A_464, %dma_wait3A_470, %dma_wait3A_471] : memref<4096x200x64xf32, #tpu.memory_space<hbm>> -> memref<1x200x64xf32, #tpu.memory_space<hbm>>
          %dma_wait3A_473 = tpu.memref_squeeze %dma_wait3A_472 : memref<1x200x64xf32, #tpu.memory_space<hbm>> -> memref<200x64xf32, #tpu.memory_space<hbm>>
          %dma_wait3A_474 = tpu.memref_slice %arg8[%dma_wait3A_465] : memref<4x!tpu.dma_semaphore, #tpu.memory_space<semaphore_mem>> -> memref<1x!tpu.dma_semaphore, #tpu.memory_space<semaphore_mem>>
          %dma_wait3A_475 = tpu.memref_squeeze %dma_wait3A_474 : memref<1x!tpu.dma_semaphore, #tpu.memory_space<semaphore_mem>> -> memref<!tpu.dma_semaphore, #tpu.memory_space<semaphore_mem>>
          %dma_wait3A_476 = arith.constant 0 : i32
          %dma_wait3A_477 = arith.constant 0 : i32
          %dma_wait3A_478 = tpu.memref_slice %arg4[%dma_wait3A_464, %dma_wait3A_476, %dma_wait3A_477] : memref<4096x200x64xf32, #tpu.memory_space<hbm>> -> memref<1x200x64xf32, #tpu.memory_space<hbm>>
          %dma_wait3A_479 = tpu.memref_squeeze %dma_wait3A_478 : memref<1x200x64xf32, #tpu.memory_space<hbm>> -> memref<200x64xf32, #tpu.memory_space<hbm>>
          %dma_wait3A_480 = arith.constant 0 : i32
          %dma_wait3A_481 = arith.constant 0 : i32
          %dma_wait3A_482 = tpu.memref_slice %arg6[%dma_wait3A_463, %dma_wait3A_480, %dma_wait3A_481] : memref<4x200x64xf32, #tpu.memory_space<vmem>> -> memref<1x200x64xf32, #tpu.memory_space<vmem>>
          %dma_wait3A_483 = tpu.memref_squeeze %dma_wait3A_482 : memref<1x200x64xf32, #tpu.memory_space<vmem>> -> memref<200x64xf32, #tpu.memory_space<vmem>>
          tpu.wait_dma2 semaphore(%dma_wait3A_475 : memref<!tpu.dma_semaphore, #tpu.memory_space<semaphore_mem>>) src(%dma_wait3A_483 : memref<200x64xf32, #tpu.memory_space<vmem>>) dst(%dma_wait3A_479 : memref<200x64xf32, #tpu.memory_space<hbm>>)
        } else {
        }
        %dma_start3A_435 = arith.constant 3 : i32
        %dma_start3A_436 = arith.constant 3 : i32
        %dma_start3A_437 = arith.constant 0 : i32
        %dma_start3A_438 = arith.constant 0 : i32
        %dma_start3A_439 = tpu.memref_slice %arg6[%dma_start3A_435, %dma_start3A_437, %dma_start3A_438] : memref<4x200x64xf32, #tpu.memory_space<vmem>> -> memref<1x104x64xf32, #tpu.memory_space<vmem>>
        %dma_start3A_440 = tpu.memref_squeeze %dma_start3A_439 : memref<1x104x64xf32, #tpu.memory_space<vmem>> -> memref<104x64xf32, #tpu.memory_space<vmem>>
        %dma_start3A_441 = arith.constant 0 : i32
        %dma_start3A_442 = tpu.memref_slice %arg5[%sub3A_188, %dma_start3A_441] : memref<128x200xi32, #tpu.memory_space<vmem>> -> memref<1x104xi32, #tpu.memory_space<vmem>>
        %dma_start3A_443 = tpu.memref_squeeze %dma_start3A_442 : memref<1x104xi32, #tpu.memory_space<vmem>> -> memref<104xi32, #tpu.memory_space<vmem>>
        %dma_start3A_444 = arith.constant 0 : i32
        %dma_start3A_445 = arith.constant 0 : i32
        %dma_start3A_446 = tpu.memref_slice %arg3[%dma_start3A_444, %dma_start3A_445] : memref<1000000x64xf32, #tpu.memory_space<hbm>> -> memref<1000000x64xf32, #tpu.memory_space<hbm>>
        %dma_start3A_447 = tpu.memref_slice %arg7[%dma_start3A_436] : memref<4x!tpu.dma_semaphore, #tpu.memory_space<semaphore_mem>> -> memref<1x!tpu.dma_semaphore, #tpu.memory_space<semaphore_mem>>
        %dma_start3A_448 = tpu.memref_squeeze %dma_start3A_447 : memref<1x!tpu.dma_semaphore, #tpu.memory_space<semaphore_mem>> -> memref<!tpu.dma_semaphore, #tpu.memory_space<semaphore_mem>>
        tpu.enqueue_indirect_dma source(%dma_start3A_446 : memref<1000000x64xf32, #tpu.memory_space<hbm>>) target(%dma_start3A_440 : memref<104x64xf32, #tpu.memory_space<vmem>>) offsets(%dma_start3A_443 : memref<104xi32, #tpu.memory_space<vmem>>) semaphore(%dma_start3A_448 : memref<!tpu.dma_semaphore, #tpu.memory_space<semaphore_mem>>)
        %dma_start3A_449 = arith.constant 3 : i32
        %dma_start3A_450 = arith.constant 3 : i32
        %dma_start3A_451 = arith.constant 104 : i32
        %dma_start3A_452 = arith.constant 0 : i32
        %dma_start3A_453 = tpu.memref_slice %arg6[%dma_start3A_449, %dma_start3A_451, %dma_start3A_452] : memref<4x200x64xf32, #tpu.memory_space<vmem>> -> memref<1x96x64xf32, #tpu.memory_space<vmem>>
        %dma_start3A_454 = tpu.memref_squeeze %dma_start3A_453 : memref<1x96x64xf32, #tpu.memory_space<vmem>> -> memref<96x64xf32, #tpu.memory_space<vmem>>
        %dma_start3A_455 = arith.constant 104 : i32
        %dma_start3A_456 = tpu.memref_slice %arg5[%sub3A_188, %dma_start3A_455] : memref<128x200xi32, #tpu.memory_space<vmem>> -> memref<1x96xi32, #tpu.memory_space<vmem>>
        %dma_start3A_457 = tpu.memref_squeeze %dma_start3A_456 : memref<1x96xi32, #tpu.memory_space<vmem>> -> memref<96xi32, #tpu.memory_space<vmem>>
        %dma_start3A_458 = arith.constant 0 : i32
        %dma_start3A_459 = arith.constant 0 : i32
        %dma_start3A_460 = tpu.memref_slice %arg3[%dma_start3A_458, %dma_start3A_459] : memref<1000000x64xf32, #tpu.memory_space<hbm>> -> memref<1000000x64xf32, #tpu.memory_space<hbm>>
        %dma_start3A_461 = tpu.memref_slice %arg7[%dma_start3A_450] : memref<4x!tpu.dma_semaphore, #tpu.memory_space<semaphore_mem>> -> memref<1x!tpu.dma_semaphore, #tpu.memory_space<semaphore_mem>>
        %dma_start3A_462 = tpu.memref_squeeze %dma_start3A_461 : memref<1x!tpu.dma_semaphore, #tpu.memory_space<semaphore_mem>> -> memref<!tpu.dma_semaphore, #tpu.memory_space<semaphore_mem>>
        tpu.enqueue_indirect_dma source(%dma_start3A_460 : memref<1000000x64xf32, #tpu.memory_space<hbm>>) target(%dma_start3A_454 : memref<96x64xf32, #tpu.memory_space<vmem>>) offsets(%dma_start3A_457 : memref<96xi32, #tpu.memory_space<vmem>>) semaphore(%dma_start3A_462 : memref<!tpu.dma_semaphore, #tpu.memory_space<semaphore_mem>>)
      } else {
      }
      %dma_wait3A_191 = arith.constant 0 : i32
      %dma_wait3A_192 = arith.constant 0 : i32
      %dma_wait3A_193 = arith.constant 0 : i32
      %dma_wait3A_194 = arith.constant 0 : i32
      %dma_wait3A_195 = tpu.memref_slice %arg6[%dma_wait3A_191, %dma_wait3A_193, %dma_wait3A_194] : memref<4x200x64xf32, #tpu.memory_space<vmem>> -> memref<1x104x64xf32, #tpu.memory_space<vmem>>
      %dma_wait3A_196 = tpu.memref_squeeze %dma_wait3A_195 : memref<1x104x64xf32, #tpu.memory_space<vmem>> -> memref<104x64xf32, #tpu.memory_space<vmem>>
      %dma_wait3A_197 = arith.constant 0 : i32
      %dma_wait3A_198 = tpu.memref_slice %arg5[%add3A_185, %dma_wait3A_197] : memref<128x200xi32, #tpu.memory_space<vmem>> -> memref<1x104xi32, #tpu.memory_space<vmem>>
      %dma_wait3A_199 = tpu.memref_squeeze %dma_wait3A_198 : memref<1x104xi32, #tpu.memory_space<vmem>> -> memref<104xi32, #tpu.memory_space<vmem>>
      %dma_wait3A_200 = arith.constant 0 : i32
      %dma_wait3A_201 = arith.constant 0 : i32
      %dma_wait3A_202 = tpu.memref_slice %arg3[%dma_wait3A_200, %dma_wait3A_201] : memref<1000000x64xf32, #tpu.memory_space<hbm>> -> memref<1000000x64xf32, #tpu.memory_space<hbm>>
      %dma_wait3A_203 = tpu.memref_slice %arg7[%dma_wait3A_192] : memref<4x!tpu.dma_semaphore, #tpu.memory_space<semaphore_mem>> -> memref<1x!tpu.dma_semaphore, #tpu.memory_space<semaphore_mem>>
      %dma_wait3A_204 = tpu.memref_squeeze %dma_wait3A_203 : memref<1x!tpu.dma_semaphore, #tpu.memory_space<semaphore_mem>> -> memref<!tpu.dma_semaphore, #tpu.memory_space<semaphore_mem>>
      tpu.wait_indirect_dma semaphore(%dma_wait3A_204 : memref<!tpu.dma_semaphore, #tpu.memory_space<semaphore_mem>>) src(%dma_wait3A_202 : memref<1000000x64xf32, #tpu.memory_space<hbm>>) dst(%dma_wait3A_196 : memref<104x64xf32, #tpu.memory_space<vmem>>)
      %dma_wait3A_205 = arith.constant 0 : i32
      %dma_wait3A_206 = arith.constant 0 : i32
      %dma_wait3A_207 = arith.constant 104 : i32
      %dma_wait3A_208 = arith.constant 0 : i32
      %dma_wait3A_209 = tpu.memref_slice %arg6[%dma_wait3A_205, %dma_wait3A_207, %dma_wait3A_208] : memref<4x200x64xf32, #tpu.memory_space<vmem>> -> memref<1x96x64xf32, #tpu.memory_space<vmem>>
      %dma_wait3A_210 = tpu.memref_squeeze %dma_wait3A_209 : memref<1x96x64xf32, #tpu.memory_space<vmem>> -> memref<96x64xf32, #tpu.memory_space<vmem>>
      %dma_wait3A_211 = arith.constant 104 : i32
      %dma_wait3A_212 = tpu.memref_slice %arg5[%add3A_185, %dma_wait3A_211] : memref<128x200xi32, #tpu.memory_space<vmem>> -> memref<1x96xi32, #tpu.memory_space<vmem>>
      %dma_wait3A_213 = tpu.memref_squeeze %dma_wait3A_212 : memref<1x96xi32, #tpu.memory_space<vmem>> -> memref<96xi32, #tpu.memory_space<vmem>>
      %dma_wait3A_214 = arith.constant 0 : i32
      %dma_wait3A_215 = arith.constant 0 : i32
      %dma_wait3A_216 = tpu.memref_slice %arg3[%dma_wait3A_214, %dma_wait3A_215] : memref<1000000x64xf32, #tpu.memory_space<hbm>> -> memref<1000000x64xf32, #tpu.memory_space<hbm>>
      %dma_wait3A_217 = tpu.memref_slice %arg7[%dma_wait3A_206] : memref<4x!tpu.dma_semaphore, #tpu.memory_space<semaphore_mem>> -> memref<1x!tpu.dma_semaphore, #tpu.memory_space<semaphore_mem>>
      %dma_wait3A_218 = tpu.memref_squeeze %dma_wait3A_217 : memref<1x!tpu.dma_semaphore, #tpu.memory_space<semaphore_mem>> -> memref<!tpu.dma_semaphore, #tpu.memory_space<semaphore_mem>>
      tpu.wait_indirect_dma semaphore(%dma_wait3A_218 : memref<!tpu.dma_semaphore, #tpu.memory_space<semaphore_mem>>) src(%dma_wait3A_216 : memref<1000000x64xf32, #tpu.memory_space<hbm>>) dst(%dma_wait3A_210 : memref<96x64xf32, #tpu.memory_space<vmem>>)
      %parallel_loop3A = arith.constant 0 : i32
      %parallel_loop3A_219 = arith.constant 200 : i32
      %parallel_loop3A_220 = arith.constant 1 : i32
      scf.for %parallel_loop3A_431 = %parallel_loop3A to %parallel_loop3A_219 step %parallel_loop3A_220  : i32 {
        %parallel_loop3A_432 = arith.constant 0 : i32
        %parallel_loop3A_433 = arith.index_cast %parallel_loop3A_432 : i32 to index
        %parallel_loop3A_434 = arith.index_cast %parallel_loop3A_431 : i32 to index
        %parallel_loop3A_435 = arith.constant 0 : index
        %parallel_loop3A_436 = tpu.vector_load %arg6[%parallel_loop3A_433, %parallel_loop3A_434, %parallel_loop3A_435] {strides = array<i32>} : memref<4x200x64xf32, #tpu.memory_space<vmem>>, vector<1x1x16xf32>,
        %parallel_loop3A_437 = vector.shape_cast %parallel_loop3A_436 : vector<1x1x16xf32> to vector<16xf32>
        %parallel_loop3A_438 = arith.constant 8.000000e+00 : f32
        %parallel_loop3A_439 = vector.broadcast %parallel_loop3A_438 : f32 to vector<16xf32>
        %parallel_loop3A_440 = arith.mulf %parallel_loop3A_437, %parallel_loop3A_439 : vector<16xf32>
        %parallel_loop3A_441 = arith.constant 0 : i32
        %parallel_loop3A_442 = arith.index_cast %parallel_loop3A_441 : i32 to index
        %parallel_loop3A_443 = arith.index_cast %parallel_loop3A_431 : i32 to index
        %parallel_loop3A_444 = arith.constant 0 : index
        %parallel_loop3A_445 = tpu.vector_load %arg6[%parallel_loop3A_442, %parallel_loop3A_443, %parallel_loop3A_444] {strides = array<i32>} : memref<4x200x64xf32, #tpu.memory_space<vmem>>, vector<1x1x16xf32>,
        %parallel_loop3A_446 = vector.shape_cast %parallel_loop3A_445 : vector<1x1x16xf32> to vector<16xf32>
        %parallel_loop3A_447 = vector.shape_cast %parallel_loop3A_440 : vector<16xf32> to vector<1x1x16xf32>
        tpu.vector_store %arg6[%parallel_loop3A_442, %parallel_loop3A_443, %parallel_loop3A_444], %parallel_loop3A_447 {strides = array<i32>} : memref<4x200x64xf32, #tpu.memory_space<vmem>>, vector<1x1x16xf32>,
        %parallel_loop3A_448 = arith.constant 0 : i32
        %parallel_loop3A_449 = arith.index_cast %parallel_loop3A_448 : i32 to index
        %parallel_loop3A_450 = arith.index_cast %parallel_loop3A_431 : i32 to index
        %parallel_loop3A_451 = arith.constant 16 : index
        %parallel_loop3A_452 = tpu.vector_load %arg6[%parallel_loop3A_449, %parallel_loop3A_450, %parallel_loop3A_451] {strides = array<i32>} : memref<4x200x64xf32, #tpu.memory_space<vmem>>, vector<1x1x16xf32>,
        %parallel_loop3A_453 = vector.shape_cast %parallel_loop3A_452 : vector<1x1x16xf32> to vector<16xf32>
        %parallel_loop3A_454 = arith.constant 8.000000e+00 : f32
        %parallel_loop3A_455 = vector.broadcast %parallel_loop3A_454 : f32 to vector<16xf32>
        %parallel_loop3A_456 = arith.mulf %parallel_loop3A_453, %parallel_loop3A_455 : vector<16xf32>
        %parallel_loop3A_457 = arith.constant 0 : i32
        %parallel_loop3A_458 = arith.index_cast %parallel_loop3A_457 : i32 to index
        %parallel_loop3A_459 = arith.index_cast %parallel_loop3A_431 : i32 to index
        %parallel_loop3A_460 = arith.constant 16 : index
        %parallel_loop3A_461 = tpu.vector_load %arg6[%parallel_loop3A_458, %parallel_loop3A_459, %parallel_loop3A_460] {strides = array<i32>} : memref<4x200x64xf32, #tpu.memory_space<vmem>>, vector<1x1x16xf32>,
        %parallel_loop3A_462 = vector.shape_cast %parallel_loop3A_461 : vector<1x1x16xf32> to vector<16xf32>
        %parallel_loop3A_463 = vector.shape_cast %parallel_loop3A_456 : vector<16xf32> to vector<1x1x16xf32>
        tpu.vector_store %arg6[%parallel_loop3A_458, %parallel_loop3A_459, %parallel_loop3A_460], %parallel_loop3A_463 {strides = array<i32>} : memref<4x200x64xf32, #tpu.memory_space<vmem>>, vector<1x1x16xf32>,
        %parallel_loop3A_464 = arith.constant 0 : i32
        %parallel_loop3A_465 = arith.index_cast %parallel_loop3A_464 : i32 to index
        %parallel_loop3A_466 = arith.index_cast %parallel_loop3A_431 : i32 to index
        %parallel_loop3A_467 = arith.constant 32 : index
        %parallel_loop3A_468 = tpu.vector_load %arg6[%parallel_loop3A_465, %parallel_loop3A_466, %parallel_loop3A_467] {strides = array<i32>} : memref<4x200x64xf32, #tpu.memory_space<vmem>>, vector<1x1x16xf32>,
        %parallel_loop3A_469 = vector.shape_cast %parallel_loop3A_468 : vector<1x1x16xf32> to vector<16xf32>
        %parallel_loop3A_470 = arith.constant 8.000000e+00 : f32
        %parallel_loop3A_471 = vector.broadcast %parallel_loop3A_470 : f32 to vector<16xf32>
        %parallel_loop3A_472 = arith.mulf %parallel_loop3A_469, %parallel_loop3A_471 : vector<16xf32>
        %parallel_loop3A_473 = arith.constant 0 : i32
        %parallel_loop3A_474 = arith.index_cast %parallel_loop3A_473 : i32 to index
        %parallel_loop3A_475 = arith.index_cast %parallel_loop3A_431 : i32 to index
        %parallel_loop3A_476 = arith.constant 32 : index
        %parallel_loop3A_477 = tpu.vector_load %arg6[%parallel_loop3A_474, %parallel_loop3A_475, %parallel_loop3A_476] {strides = array<i32>} : memref<4x200x64xf32, #tpu.memory_space<vmem>>, vector<1x1x16xf32>,
        %parallel_loop3A_478 = vector.shape_cast %parallel_loop3A_477 : vector<1x1x16xf32> to vector<16xf32>
        %parallel_loop3A_479 = vector.shape_cast %parallel_loop3A_472 : vector<16xf32> to vector<1x1x16xf32>
        tpu.vector_store %arg6[%parallel_loop3A_474, %parallel_loop3A_475, %parallel_loop3A_476], %parallel_loop3A_479 {strides = array<i32>} : memref<4x200x64xf32, #tpu.memory_space<vmem>>, vector<1x1x16xf32>,
        %parallel_loop3A_480 = arith.constant 0 : i32
        %parallel_loop3A_481 = arith.index_cast %parallel_loop3A_480 : i32 to index
        %parallel_loop3A_482 = arith.index_cast %parallel_loop3A_431 : i32 to index
        %parallel_loop3A_483 = arith.constant 48 : index
        %parallel_loop3A_484 = tpu.vector_load %arg6[%parallel_loop3A_481, %parallel_loop3A_482, %parallel_loop3A_483] {strides = array<i32>} : memref<4x200x64xf32, #tpu.memory_space<vmem>>, vector<1x1x16xf32>,
        %parallel_loop3A_485 = vector.shape_cast %parallel_loop3A_484 : vector<1x1x16xf32> to vector<16xf32>
        %parallel_loop3A_486 = arith.constant 8.000000e+00 : f32
        %parallel_loop3A_487 = vector.broadcast %parallel_loop3A_486 : f32 to vector<16xf32>
        %parallel_loop3A_488 = arith.mulf %parallel_loop3A_485, %parallel_loop3A_487 : vector<16xf32>
        %parallel_loop3A_489 = arith.constant 0 : i32
        %parallel_loop3A_490 = arith.index_cast %parallel_loop3A_489 : i32 to index
        %parallel_loop3A_491 = arith.index_cast %parallel_loop3A_431 : i32 to index
        %parallel_loop3A_492 = arith.constant 48 : index
        %parallel_loop3A_493 = tpu.vector_load %arg6[%parallel_loop3A_490, %parallel_loop3A_491, %parallel_loop3A_492] {strides = array<i32>} : memref<4x200x64xf32, #tpu.memory_space<vmem>>, vector<1x1x16xf32>,
        %parallel_loop3A_494 = vector.shape_cast %parallel_loop3A_493 : vector<1x1x16xf32> to vector<16xf32>
        %parallel_loop3A_495 = vector.shape_cast %parallel_loop3A_488 : vector<16xf32> to vector<1x1x16xf32>
        tpu.vector_store %arg6[%parallel_loop3A_490, %parallel_loop3A_491, %parallel_loop3A_492], %parallel_loop3A_495 {strides = array<i32>} : memref<4x200x64xf32, #tpu.memory_space<vmem>>, vector<1x1x16xf32>,
      } {sc.loop_unroll_factor = 4 : i64, sc.parallel_access}
      %add3A_221 = arith.addi %mul3A_2, %add3A_185 : i32
      %dma_start3A_222 = arith.constant 0 : i32
      %dma_start3A_223 = arith.constant 0 : i32
      %dma_start3A_224 = arith.constant 0 : i32
      %dma_start3A_225 = arith.constant 0 : i32
      %dma_start3A_226 = tpu.memref_slice %arg6[%dma_start3A_222, %dma_start3A_224, %dma_start3A_225] : memref<4x200x64xf32, #tpu.memory_space<vmem>> -> memref<1x200x64xf32, #tpu.memory_space<vmem>>
      %dma_start3A_227 = tpu.memref_squeeze %dma_start3A_226 : memref<1x200x64xf32, #tpu.memory_space<vmem>> -> memref<200x64xf32, #tpu.memory_space<vmem>>
      %dma_start3A_228 = arith.constant 0 : i32
      %dma_start3A_229 = arith.constant 0 : i32
      %dma_start3A_230 = tpu.memref_slice %arg4[%add3A_221, %dma_start3A_228, %dma_start3A_229] : memref<4096x200x64xf32, #tpu.memory_space<hbm>> -> memref<1x200x64xf32, #tpu.memory_space<hbm>>
      %dma_start3A_231 = tpu.memref_squeeze %dma_start3A_230 : memref<1x200x64xf32, #tpu.memory_space<hbm>> -> memref<200x64xf32, #tpu.memory_space<hbm>>
      %dma_start3A_232 = tpu.memref_slice %arg8[%dma_start3A_223] : memref<4x!tpu.dma_semaphore, #tpu.memory_space<semaphore_mem>> -> memref<1x!tpu.dma_semaphore, #tpu.memory_space<semaphore_mem>>
      %dma_start3A_233 = tpu.memref_squeeze %dma_start3A_232 : memref<1x!tpu.dma_semaphore, #tpu.memory_space<semaphore_mem>> -> memref<!tpu.dma_semaphore, #tpu.memory_space<semaphore_mem>>
      %dma_start3A_234 = arith.constant 0 : i32
      %dma_start3A_235 = arith.constant 0 : i32
      %dma_start3A_236 = tpu.memref_slice %arg4[%add3A_221, %dma_start3A_234, %dma_start3A_235] : memref<4096x200x64xf32, #tpu.memory_space<hbm>> -> memref<1x200x64xf32, #tpu.memory_space<hbm>>
      %dma_start3A_237 = tpu.memref_squeeze %dma_start3A_236 : memref<1x200x64xf32, #tpu.memory_space<hbm>> -> memref<200x64xf32, #tpu.memory_space<hbm>>
      %dma_start3A_238 = arith.constant 0 : i32
      %dma_start3A_239 = arith.constant 0 : i32
      %dma_start3A_240 = tpu.memref_slice %arg6[%dma_start3A_222, %dma_start3A_238, %dma_start3A_239] : memref<4x200x64xf32, #tpu.memory_space<vmem>> -> memref<1x200x64xf32, #tpu.memory_space<vmem>>
      %dma_start3A_241 = tpu.memref_squeeze %dma_start3A_240 : memref<1x200x64xf32, #tpu.memory_space<vmem>> -> memref<200x64xf32, #tpu.memory_space<vmem>>
      tpu.enqueue_dma source(%dma_start3A_241 : memref<200x64xf32, #tpu.memory_space<vmem>>) target(%dma_start3A_237 : memref<200x64xf32, #tpu.memory_space<hbm>>) target_semaphore(%dma_start3A_233 : memref<!tpu.dma_semaphore, #tpu.memory_space<semaphore_mem>>)
      %add3A_242 = arith.constant 1 : i32
      %add3A_243 = arith.addi %add3A_183, %add3A_242 : i32
      %add3A_244 = arith.constant 4 : i32
      %add3A_245 = arith.addi %add3A_243, %add3A_244 : i32
      %sub3A_246 = arith.constant 1 : i32
      %sub3A_247 = arith.subi %add3A_245, %sub3A_246 : i32
      %lt3A_248 = arith.constant 128 : i32
      %lt3A_249 = arith.cmpi slt, %sub3A_247, %lt3A_248 : i32
      %convert_element_type3A_250 = arith.extui %lt3A_249 : i1 to i32
      %cond3A_251 = arith.constant 0 : i32
      %cond3A_252 = arith.cmpi ne, %convert_element_type3A_250, %cond3A_251 : i32
      scf.if %cond3A_252 {
        %gt3A = arith.constant 0 : i32
        %gt3A_431 = arith.cmpi sgt, %add3A_243, %gt3A : i32
        %convert_element_type3A_432 = arith.extui %gt3A_431 : i1 to i32
        %cond3A_433 = arith.constant 0 : i32
        %cond3A_434 = arith.cmpi ne, %convert_element_type3A_432, %cond3A_433 : i32
        scf.if %cond3A_434 {
          %dma_wait3A_463 = arith.constant 0 : i32
          %dma_wait3A_464 = arith.constant 0 : i32
          %dma_wait3A_465 = arith.constant 0 : i32
          %dma_wait3A_466 = arith.constant 0 : i32
          %dma_wait3A_467 = arith.constant 0 : i32
          %dma_wait3A_468 = tpu.memref_slice %arg6[%dma_wait3A_463, %dma_wait3A_466, %dma_wait3A_467] : memref<4x200x64xf32, #tpu.memory_space<vmem>> -> memref<1x200x64xf32, #tpu.memory_space<vmem>>
          %dma_wait3A_469 = tpu.memref_squeeze %dma_wait3A_468 : memref<1x200x64xf32, #tpu.memory_space<vmem>> -> memref<200x64xf32, #tpu.memory_space<vmem>>
          %dma_wait3A_470 = arith.constant 0 : i32
          %dma_wait3A_471 = arith.constant 0 : i32
          %dma_wait3A_472 = tpu.memref_slice %arg4[%dma_wait3A_464, %dma_wait3A_470, %dma_wait3A_471] : memref<4096x200x64xf32, #tpu.memory_space<hbm>> -> memref<1x200x64xf32, #tpu.memory_space<hbm>>
          %dma_wait3A_473 = tpu.memref_squeeze %dma_wait3A_472 : memref<1x200x64xf32, #tpu.memory_space<hbm>> -> memref<200x64xf32, #tpu.memory_space<hbm>>
          %dma_wait3A_474 = tpu.memref_slice %arg8[%dma_wait3A_465] : memref<4x!tpu.dma_semaphore, #tpu.memory_space<semaphore_mem>> -> memref<1x!tpu.dma_semaphore, #tpu.memory_space<semaphore_mem>>
          %dma_wait3A_475 = tpu.memref_squeeze %dma_wait3A_474 : memref<1x!tpu.dma_semaphore, #tpu.memory_space<semaphore_mem>> -> memref<!tpu.dma_semaphore, #tpu.memory_space<semaphore_mem>>
          %dma_wait3A_476 = arith.constant 0 : i32
          %dma_wait3A_477 = arith.constant 0 : i32
          %dma_wait3A_478 = tpu.memref_slice %arg4[%dma_wait3A_464, %dma_wait3A_476, %dma_wait3A_477] : memref<4096x200x64xf32, #tpu.memory_space<hbm>> -> memref<1x200x64xf32, #tpu.memory_space<hbm>>
          %dma_wait3A_479 = tpu.memref_squeeze %dma_wait3A_478 : memref<1x200x64xf32, #tpu.memory_space<hbm>> -> memref<200x64xf32, #tpu.memory_space<hbm>>
          %dma_wait3A_480 = arith.constant 0 : i32
          %dma_wait3A_481 = arith.constant 0 : i32
          %dma_wait3A_482 = tpu.memref_slice %arg6[%dma_wait3A_463, %dma_wait3A_480, %dma_wait3A_481] : memref<4x200x64xf32, #tpu.memory_space<vmem>> -> memref<1x200x64xf32, #tpu.memory_space<vmem>>
          %dma_wait3A_483 = tpu.memref_squeeze %dma_wait3A_482 : memref<1x200x64xf32, #tpu.memory_space<vmem>> -> memref<200x64xf32, #tpu.memory_space<vmem>>
          tpu.wait_dma2 semaphore(%dma_wait3A_475 : memref<!tpu.dma_semaphore, #tpu.memory_space<semaphore_mem>>) src(%dma_wait3A_483 : memref<200x64xf32, #tpu.memory_space<vmem>>) dst(%dma_wait3A_479 : memref<200x64xf32, #tpu.memory_space<hbm>>)
        } else {
        }
        %dma_start3A_435 = arith.constant 0 : i32
        %dma_start3A_436 = arith.constant 0 : i32
        %dma_start3A_437 = arith.constant 0 : i32
        %dma_start3A_438 = arith.constant 0 : i32
        %dma_start3A_439 = tpu.memref_slice %arg6[%dma_start3A_435, %dma_start3A_437, %dma_start3A_438] : memref<4x200x64xf32, #tpu.memory_space<vmem>> -> memref<1x104x64xf32, #tpu.memory_space<vmem>>
        %dma_start3A_440 = tpu.memref_squeeze %dma_start3A_439 : memref<1x104x64xf32, #tpu.memory_space<vmem>> -> memref<104x64xf32, #tpu.memory_space<vmem>>
        %dma_start3A_441 = arith.constant 0 : i32
        %dma_start3A_442 = tpu.memref_slice %arg5[%sub3A_247, %dma_start3A_441] : memref<128x200xi32, #tpu.memory_space<vmem>> -> memref<1x104xi32, #tpu.memory_space<vmem>>
        %dma_start3A_443 = tpu.memref_squeeze %dma_start3A_442 : memref<1x104xi32, #tpu.memory_space<vmem>> -> memref<104xi32, #tpu.memory_space<vmem>>
        %dma_start3A_444 = arith.constant 0 : i32
        %dma_start3A_445 = arith.constant 0 : i32
        %dma_start3A_446 = tpu.memref_slice %arg3[%dma_start3A_444, %dma_start3A_445] : memref<1000000x64xf32, #tpu.memory_space<hbm>> -> memref<1000000x64xf32, #tpu.memory_space<hbm>>
        %dma_start3A_447 = tpu.memref_slice %arg7[%dma_start3A_436] : memref<4x!tpu.dma_semaphore, #tpu.memory_space<semaphore_mem>> -> memref<1x!tpu.dma_semaphore, #tpu.memory_space<semaphore_mem>>
        %dma_start3A_448 = tpu.memref_squeeze %dma_start3A_447 : memref<1x!tpu.dma_semaphore, #tpu.memory_space<semaphore_mem>> -> memref<!tpu.dma_semaphore, #tpu.memory_space<semaphore_mem>>
        tpu.enqueue_indirect_dma source(%dma_start3A_446 : memref<1000000x64xf32, #tpu.memory_space<hbm>>) target(%dma_start3A_440 : memref<104x64xf32, #tpu.memory_space<vmem>>) offsets(%dma_start3A_443 : memref<104xi32, #tpu.memory_space<vmem>>) semaphore(%dma_start3A_448 : memref<!tpu.dma_semaphore, #tpu.memory_space<semaphore_mem>>)
        %dma_start3A_449 = arith.constant 0 : i32
        %dma_start3A_450 = arith.constant 0 : i32
        %dma_start3A_451 = arith.constant 104 : i32
        %dma_start3A_452 = arith.constant 0 : i32
        %dma_start3A_453 = tpu.memref_slice %arg6[%dma_start3A_449, %dma_start3A_451, %dma_start3A_452] : memref<4x200x64xf32, #tpu.memory_space<vmem>> -> memref<1x96x64xf32, #tpu.memory_space<vmem>>
        %dma_start3A_454 = tpu.memref_squeeze %dma_start3A_453 : memref<1x96x64xf32, #tpu.memory_space<vmem>> -> memref<96x64xf32, #tpu.memory_space<vmem>>
        %dma_start3A_455 = arith.constant 104 : i32
        %dma_start3A_456 = tpu.memref_slice %arg5[%sub3A_247, %dma_start3A_455] : memref<128x200xi32, #tpu.memory_space<vmem>> -> memref<1x96xi32, #tpu.memory_space<vmem>>
        %dma_start3A_457 = tpu.memref_squeeze %dma_start3A_456 : memref<1x96xi32, #tpu.memory_space<vmem>> -> memref<96xi32, #tpu.memory_space<vmem>>
        %dma_start3A_458 = arith.constant 0 : i32
        %dma_start3A_459 = arith.constant 0 : i32
        %dma_start3A_460 = tpu.memref_slice %arg3[%dma_start3A_458, %dma_start3A_459] : memref<1000000x64xf32, #tpu.memory_space<hbm>> -> memref<1000000x64xf32, #tpu.memory_space<hbm>>
        %dma_start3A_461 = tpu.memref_slice %arg7[%dma_start3A_450] : memref<4x!tpu.dma_semaphore, #tpu.memory_space<semaphore_mem>> -> memref<1x!tpu.dma_semaphore, #tpu.memory_space<semaphore_mem>>
        %dma_start3A_462 = tpu.memref_squeeze %dma_start3A_461 : memref<1x!tpu.dma_semaphore, #tpu.memory_space<semaphore_mem>> -> memref<!tpu.dma_semaphore, #tpu.memory_space<semaphore_mem>>
        tpu.enqueue_indirect_dma source(%dma_start3A_460 : memref<1000000x64xf32, #tpu.memory_space<hbm>>) target(%dma_start3A_454 : memref<96x64xf32, #tpu.memory_space<vmem>>) offsets(%dma_start3A_457 : memref<96xi32, #tpu.memory_space<vmem>>) semaphore(%dma_start3A_462 : memref<!tpu.dma_semaphore, #tpu.memory_space<semaphore_mem>>)
      } else {
      }
      %dma_wait3A_253 = arith.constant 1 : i32
      %dma_wait3A_254 = arith.constant 1 : i32
      %dma_wait3A_255 = arith.constant 0 : i32
      %dma_wait3A_256 = arith.constant 0 : i32
      %dma_wait3A_257 = tpu.memref_slice %arg6[%dma_wait3A_253, %dma_wait3A_255, %dma_wait3A_256] : memref<4x200x64xf32, #tpu.memory_space<vmem>> -> memref<1x104x64xf32, #tpu.memory_space<vmem>>
      %dma_wait3A_258 = tpu.memref_squeeze %dma_wait3A_257 : memref<1x104x64xf32, #tpu.memory_space<vmem>> -> memref<104x64xf32, #tpu.memory_space<vmem>>
      %dma_wait3A_259 = arith.constant 0 : i32
      %dma_wait3A_260 = tpu.memref_slice %arg5[%add3A_243, %dma_wait3A_259] : memref<128x200xi32, #tpu.memory_space<vmem>> -> memref<1x104xi32, #tpu.memory_space<vmem>>
      %dma_wait3A_261 = tpu.memref_squeeze %dma_wait3A_260 : memref<1x104xi32, #tpu.memory_space<vmem>> -> memref<104xi32, #tpu.memory_space<vmem>>
      %dma_wait3A_262 = arith.constant 0 : i32
      %dma_wait3A_263 = arith.constant 0 : i32
      %dma_wait3A_264 = tpu.memref_slice %arg3[%dma_wait3A_262, %dma_wait3A_263] : memref<1000000x64xf32, #tpu.memory_space<hbm>> -> memref<1000000x64xf32, #tpu.memory_space<hbm>>
      %dma_wait3A_265 = tpu.memref_slice %arg7[%dma_wait3A_254] : memref<4x!tpu.dma_semaphore, #tpu.memory_space<semaphore_mem>> -> memref<1x!tpu.dma_semaphore, #tpu.memory_space<semaphore_mem>>
      %dma_wait3A_266 = tpu.memref_squeeze %dma_wait3A_265 : memref<1x!tpu.dma_semaphore, #tpu.memory_space<semaphore_mem>> -> memref<!tpu.dma_semaphore, #tpu.memory_space<semaphore_mem>>
      tpu.wait_indirect_dma semaphore(%dma_wait3A_266 : memref<!tpu.dma_semaphore, #tpu.memory_space<semaphore_mem>>) src(%dma_wait3A_264 : memref<1000000x64xf32, #tpu.memory_space<hbm>>) dst(%dma_wait3A_258 : memref<104x64xf32, #tpu.memory_space<vmem>>)
      %dma_wait3A_267 = arith.constant 1 : i32
      %dma_wait3A_268 = arith.constant 1 : i32
      %dma_wait3A_269 = arith.constant 104 : i32
      %dma_wait3A_270 = arith.constant 0 : i32
      %dma_wait3A_271 = tpu.memref_slice %arg6[%dma_wait3A_267, %dma_wait3A_269, %dma_wait3A_270] : memref<4x200x64xf32, #tpu.memory_space<vmem>> -> memref<1x96x64xf32, #tpu.memory_space<vmem>>
      %dma_wait3A_272 = tpu.memref_squeeze %dma_wait3A_271 : memref<1x96x64xf32, #tpu.memory_space<vmem>> -> memref<96x64xf32, #tpu.memory_space<vmem>>
      %dma_wait3A_273 = arith.constant 104 : i32
      %dma_wait3A_274 = tpu.memref_slice %arg5[%add3A_243, %dma_wait3A_273] : memref<128x200xi32, #tpu.memory_space<vmem>> -> memref<1x96xi32, #tpu.memory_space<vmem>>
      %dma_wait3A_275 = tpu.memref_squeeze %dma_wait3A_274 : memref<1x96xi32, #tpu.memory_space<vmem>> -> memref<96xi32, #tpu.memory_space<vmem>>
      %dma_wait3A_276 = arith.constant 0 : i32
      %dma_wait3A_277 = arith.constant 0 : i32
      %dma_wait3A_278 = tpu.memref_slice %arg3[%dma_wait3A_276, %dma_wait3A_277] : memref<1000000x64xf32, #tpu.memory_space<hbm>> -> memref<1000000x64xf32, #tpu.memory_space<hbm>>
      %dma_wait3A_279 = tpu.memref_slice %arg7[%dma_wait3A_268] : memref<4x!tpu.dma_semaphore, #tpu.memory_space<semaphore_mem>> -> memref<1x!tpu.dma_semaphore, #tpu.memory_space<semaphore_mem>>
      %dma_wait3A_280 = tpu.memref_squeeze %dma_wait3A_279 : memref<1x!tpu.dma_semaphore, #tpu.memory_space<semaphore_mem>> -> memref<!tpu.dma_semaphore, #tpu.memory_space<semaphore_mem>>
      tpu.wait_indirect_dma semaphore(%dma_wait3A_280 : memref<!tpu.dma_semaphore, #tpu.memory_space<semaphore_mem>>) src(%dma_wait3A_278 : memref<1000000x64xf32, #tpu.memory_space<hbm>>) dst(%dma_wait3A_272 : memref<96x64xf32, #tpu.memory_space<vmem>>)
      %parallel_loop3A_281 = arith.constant 0 : i32
      %parallel_loop3A_282 = arith.constant 200 : i32
      %parallel_loop3A_283 = arith.constant 1 : i32
      scf.for %parallel_loop3A_431 = %parallel_loop3A_281 to %parallel_loop3A_282 step %parallel_loop3A_283  : i32 {
        %parallel_loop3A_432 = arith.constant 1 : i32
        %parallel_loop3A_433 = arith.index_cast %parallel_loop3A_432 : i32 to index
        %parallel_loop3A_434 = arith.index_cast %parallel_loop3A_431 : i32 to index
        %parallel_loop3A_435 = arith.constant 0 : index
        %parallel_loop3A_436 = tpu.vector_load %arg6[%parallel_loop3A_433, %parallel_loop3A_434, %parallel_loop3A_435] {strides = array<i32>} : memref<4x200x64xf32, #tpu.memory_space<vmem>>, vector<1x1x16xf32>,
        %parallel_loop3A_437 = vector.shape_cast %parallel_loop3A_436 : vector<1x1x16xf32> to vector<16xf32>
        %parallel_loop3A_438 = arith.constant 8.000000e+00 : f32
        %parallel_loop3A_439 = vector.broadcast %parallel_loop3A_438 : f32 to vector<16xf32>
        %parallel_loop3A_440 = arith.mulf %parallel_loop3A_437, %parallel_loop3A_439 : vector<16xf32>
        %parallel_loop3A_441 = arith.constant 1 : i32
        %parallel_loop3A_442 = arith.index_cast %parallel_loop3A_441 : i32 to index
        %parallel_loop3A_443 = arith.index_cast %parallel_loop3A_431 : i32 to index
        %parallel_loop3A_444 = arith.constant 0 : index
        %parallel_loop3A_445 = tpu.vector_load %arg6[%parallel_loop3A_442, %parallel_loop3A_443, %parallel_loop3A_444] {strides = array<i32>} : memref<4x200x64xf32, #tpu.memory_space<vmem>>, vector<1x1x16xf32>,
        %parallel_loop3A_446 = vector.shape_cast %parallel_loop3A_445 : vector<1x1x16xf32> to vector<16xf32>
        %parallel_loop3A_447 = vector.shape_cast %parallel_loop3A_440 : vector<16xf32> to vector<1x1x16xf32>
        tpu.vector_store %arg6[%parallel_loop3A_442, %parallel_loop3A_443, %parallel_loop3A_444], %parallel_loop3A_447 {strides = array<i32>} : memref<4x200x64xf32, #tpu.memory_space<vmem>>, vector<1x1x16xf32>,
        %parallel_loop3A_448 = arith.constant 1 : i32
        %parallel_loop3A_449 = arith.index_cast %parallel_loop3A_448 : i32 to index
        %parallel_loop3A_450 = arith.index_cast %parallel_loop3A_431 : i32 to index
        %parallel_loop3A_451 = arith.constant 16 : index
        %parallel_loop3A_452 = tpu.vector_load %arg6[%parallel_loop3A_449, %parallel_loop3A_450, %parallel_loop3A_451] {strides = array<i32>} : memref<4x200x64xf32, #tpu.memory_space<vmem>>, vector<1x1x16xf32>,
        %parallel_loop3A_453 = vector.shape_cast %parallel_loop3A_452 : vector<1x1x16xf32> to vector<16xf32>
        %parallel_loop3A_454 = arith.constant 8.000000e+00 : f32
        %parallel_loop3A_455 = vector.broadcast %parallel_loop3A_454 : f32 to vector<16xf32>
        %parallel_loop3A_456 = arith.mulf %parallel_loop3A_453, %parallel_loop3A_455 : vector<16xf32>
        %parallel_loop3A_457 = arith.constant 1 : i32
        %parallel_loop3A_458 = arith.index_cast %parallel_loop3A_457 : i32 to index
        %parallel_loop3A_459 = arith.index_cast %parallel_loop3A_431 : i32 to index
        %parallel_loop3A_460 = arith.constant 16 : index
        %parallel_loop3A_461 = tpu.vector_load %arg6[%parallel_loop3A_458, %parallel_loop3A_459, %parallel_loop3A_460] {strides = array<i32>} : memref<4x200x64xf32, #tpu.memory_space<vmem>>, vector<1x1x16xf32>,
        %parallel_loop3A_462 = vector.shape_cast %parallel_loop3A_461 : vector<1x1x16xf32> to vector<16xf32>
        %parallel_loop3A_463 = vector.shape_cast %parallel_loop3A_456 : vector<16xf32> to vector<1x1x16xf32>
        tpu.vector_store %arg6[%parallel_loop3A_458, %parallel_loop3A_459, %parallel_loop3A_460], %parallel_loop3A_463 {strides = array<i32>} : memref<4x200x64xf32, #tpu.memory_space<vmem>>, vector<1x1x16xf32>,
        %parallel_loop3A_464 = arith.constant 1 : i32
        %parallel_loop3A_465 = arith.index_cast %parallel_loop3A_464 : i32 to index
        %parallel_loop3A_466 = arith.index_cast %parallel_loop3A_431 : i32 to index
        %parallel_loop3A_467 = arith.constant 32 : index
        %parallel_loop3A_468 = tpu.vector_load %arg6[%parallel_loop3A_465, %parallel_loop3A_466, %parallel_loop3A_467] {strides = array<i32>} : memref<4x200x64xf32, #tpu.memory_space<vmem>>, vector<1x1x16xf32>,
        %parallel_loop3A_469 = vector.shape_cast %parallel_loop3A_468 : vector<1x1x16xf32> to vector<16xf32>
        %parallel_loop3A_470 = arith.constant 8.000000e+00 : f32
        %parallel_loop3A_471 = vector.broadcast %parallel_loop3A_470 : f32 to vector<16xf32>
        %parallel_loop3A_472 = arith.mulf %parallel_loop3A_469, %parallel_loop3A_471 : vector<16xf32>
        %parallel_loop3A_473 = arith.constant 1 : i32
        %parallel_loop3A_474 = arith.index_cast %parallel_loop3A_473 : i32 to index
        %parallel_loop3A_475 = arith.index_cast %parallel_loop3A_431 : i32 to index
        %parallel_loop3A_476 = arith.constant 32 : index
        %parallel_loop3A_477 = tpu.vector_load %arg6[%parallel_loop3A_474, %parallel_loop3A_475, %parallel_loop3A_476] {strides = array<i32>} : memref<4x200x64xf32, #tpu.memory_space<vmem>>, vector<1x1x16xf32>,
        %parallel_loop3A_478 = vector.shape_cast %parallel_loop3A_477 : vector<1x1x16xf32> to vector<16xf32>
        %parallel_loop3A_479 = vector.shape_cast %parallel_loop3A_472 : vector<16xf32> to vector<1x1x16xf32>
        tpu.vector_store %arg6[%parallel_loop3A_474, %parallel_loop3A_475, %parallel_loop3A_476], %parallel_loop3A_479 {strides = array<i32>} : memref<4x200x64xf32, #tpu.memory_space<vmem>>, vector<1x1x16xf32>,
        %parallel_loop3A_480 = arith.constant 1 : i32
        %parallel_loop3A_481 = arith.index_cast %parallel_loop3A_480 : i32 to index
        %parallel_loop3A_482 = arith.index_cast %parallel_loop3A_431 : i32 to index
        %parallel_loop3A_483 = arith.constant 48 : index
        %parallel_loop3A_484 = tpu.vector_load %arg6[%parallel_loop3A_481, %parallel_loop3A_482, %parallel_loop3A_483] {strides = array<i32>} : memref<4x200x64xf32, #tpu.memory_space<vmem>>, vector<1x1x16xf32>,
        %parallel_loop3A_485 = vector.shape_cast %parallel_loop3A_484 : vector<1x1x16xf32> to vector<16xf32>
        %parallel_loop3A_486 = arith.constant 8.000000e+00 : f32
        %parallel_loop3A_487 = vector.broadcast %parallel_loop3A_486 : f32 to vector<16xf32>
        %parallel_loop3A_488 = arith.mulf %parallel_loop3A_485, %parallel_loop3A_487 : vector<16xf32>
        %parallel_loop3A_489 = arith.constant 1 : i32
        %parallel_loop3A_490 = arith.index_cast %parallel_loop3A_489 : i32 to index
        %parallel_loop3A_491 = arith.index_cast %parallel_loop3A_431 : i32 to index
        %parallel_loop3A_492 = arith.constant 48 : index
        %parallel_loop3A_493 = tpu.vector_load %arg6[%parallel_loop3A_490, %parallel_loop3A_491, %parallel_loop3A_492] {strides = array<i32>} : memref<4x200x64xf32, #tpu.memory_space<vmem>>, vector<1x1x16xf32>,
        %parallel_loop3A_494 = vector.shape_cast %parallel_loop3A_493 : vector<1x1x16xf32> to vector<16xf32>
        %parallel_loop3A_495 = vector.shape_cast %parallel_loop3A_488 : vector<16xf32> to vector<1x1x16xf32>
        tpu.vector_store %arg6[%parallel_loop3A_490, %parallel_loop3A_491, %parallel_loop3A_492], %parallel_loop3A_495 {strides = array<i32>} : memref<4x200x64xf32, #tpu.memory_space<vmem>>, vector<1x1x16xf32>,
      } {sc.loop_unroll_factor = 4 : i64, sc.parallel_access}
      %add3A_284 = arith.addi %mul3A_2, %add3A_243 : i32
      %dma_start3A_285 = arith.constant 1 : i32
      %dma_start3A_286 = arith.constant 1 : i32
      %dma_start3A_287 = arith.constant 0 : i32
      %dma_start3A_288 = arith.constant 0 : i32
      %dma_start3A_289 = tpu.memref_slice %arg6[%dma_start3A_285, %dma_start3A_287, %dma_start3A_288] : memref<4x200x64xf32, #tpu.memory_space<vmem>> -> memref<1x200x64xf32, #tpu.memory_space<vmem>>
      %dma_start3A_290 = tpu.memref_squeeze %dma_start3A_289 : memref<1x200x64xf32, #tpu.memory_space<vmem>> -> memref<200x64xf32, #tpu.memory_space<vmem>>
      %dma_start3A_291 = arith.constant 0 : i32
      %dma_start3A_292 = arith.constant 0 : i32
      %dma_start3A_293 = tpu.memref_slice %arg4[%add3A_284, %dma_start3A_291, %dma_start3A_292] : memref<4096x200x64xf32, #tpu.memory_space<hbm>> -> memref<1x200x64xf32, #tpu.memory_space<hbm>>
      %dma_start3A_294 = tpu.memref_squeeze %dma_start3A_293 : memref<1x200x64xf32, #tpu.memory_space<hbm>> -> memref<200x64xf32, #tpu.memory_space<hbm>>
      %dma_start3A_295 = tpu.memref_slice %arg8[%dma_start3A_286] : memref<4x!tpu.dma_semaphore, #tpu.memory_space<semaphore_mem>> -> memref<1x!tpu.dma_semaphore, #tpu.memory_space<semaphore_mem>>
      %dma_start3A_296 = tpu.memref_squeeze %dma_start3A_295 : memref<1x!tpu.dma_semaphore, #tpu.memory_space<semaphore_mem>> -> memref<!tpu.dma_semaphore, #tpu.memory_space<semaphore_mem>>
      %dma_start3A_297 = arith.constant 0 : i32
      %dma_start3A_298 = arith.constant 0 : i32
      %dma_start3A_299 = tpu.memref_slice %arg4[%add3A_284, %dma_start3A_297, %dma_start3A_298] : memref<4096x200x64xf32, #tpu.memory_space<hbm>> -> memref<1x200x64xf32, #tpu.memory_space<hbm>>
      %dma_start3A_300 = tpu.memref_squeeze %dma_start3A_299 : memref<1x200x64xf32, #tpu.memory_space<hbm>> -> memref<200x64xf32, #tpu.memory_space<hbm>>
      %dma_start3A_301 = arith.constant 0 : i32
      %dma_start3A_302 = arith.constant 0 : i32
      %dma_start3A_303 = tpu.memref_slice %arg6[%dma_start3A_285, %dma_start3A_301, %dma_start3A_302] : memref<4x200x64xf32, #tpu.memory_space<vmem>> -> memref<1x200x64xf32, #tpu.memory_space<vmem>>
      %dma_start3A_304 = tpu.memref_squeeze %dma_start3A_303 : memref<1x200x64xf32, #tpu.memory_space<vmem>> -> memref<200x64xf32, #tpu.memory_space<vmem>>
      tpu.enqueue_dma source(%dma_start3A_304 : memref<200x64xf32, #tpu.memory_space<vmem>>) target(%dma_start3A_300 : memref<200x64xf32, #tpu.memory_space<hbm>>) target_semaphore(%dma_start3A_296 : memref<!tpu.dma_semaphore, #tpu.memory_space<semaphore_mem>>)
      %add3A_305 = arith.constant 2 : i32
      %add3A_306 = arith.addi %add3A_183, %add3A_305 : i32
      %add3A_307 = arith.constant 4 : i32
      %add3A_308 = arith.addi %add3A_306, %add3A_307 : i32
      %sub3A_309 = arith.constant 1 : i32
      %sub3A_310 = arith.subi %add3A_308, %sub3A_309 : i32
      %lt3A_311 = arith.constant 128 : i32
      %lt3A_312 = arith.cmpi slt, %sub3A_310, %lt3A_311 : i32
      %convert_element_type3A_313 = arith.extui %lt3A_312 : i1 to i32
      %cond3A_314 = arith.constant 0 : i32
      %cond3A_315 = arith.cmpi ne, %convert_element_type3A_313, %cond3A_314 : i32
      scf.if %cond3A_315 {
        %gt3A = arith.constant 0 : i32
        %gt3A_431 = arith.cmpi sgt, %add3A_306, %gt3A : i32
        %convert_element_type3A_432 = arith.extui %gt3A_431 : i1 to i32
        %cond3A_433 = arith.constant 0 : i32
        %cond3A_434 = arith.cmpi ne, %convert_element_type3A_432, %cond3A_433 : i32
        scf.if %cond3A_434 {
          %dma_wait3A_463 = arith.constant 1 : i32
          %dma_wait3A_464 = arith.constant 0 : i32
          %dma_wait3A_465 = arith.constant 1 : i32
          %dma_wait3A_466 = arith.constant 0 : i32
          %dma_wait3A_467 = arith.constant 0 : i32
          %dma_wait3A_468 = tpu.memref_slice %arg6[%dma_wait3A_463, %dma_wait3A_466, %dma_wait3A_467] : memref<4x200x64xf32, #tpu.memory_space<vmem>> -> memref<1x200x64xf32, #tpu.memory_space<vmem>>
          %dma_wait3A_469 = tpu.memref_squeeze %dma_wait3A_468 : memref<1x200x64xf32, #tpu.memory_space<vmem>> -> memref<200x64xf32, #tpu.memory_space<vmem>>
          %dma_wait3A_470 = arith.constant 0 : i32
          %dma_wait3A_471 = arith.constant 0 : i32
          %dma_wait3A_472 = tpu.memref_slice %arg4[%dma_wait3A_464, %dma_wait3A_470, %dma_wait3A_471] : memref<4096x200x64xf32, #tpu.memory_space<hbm>> -> memref<1x200x64xf32, #tpu.memory_space<hbm>>
          %dma_wait3A_473 = tpu.memref_squeeze %dma_wait3A_472 : memref<1x200x64xf32, #tpu.memory_space<hbm>> -> memref<200x64xf32, #tpu.memory_space<hbm>>
          %dma_wait3A_474 = tpu.memref_slice %arg8[%dma_wait3A_465] : memref<4x!tpu.dma_semaphore, #tpu.memory_space<semaphore_mem>> -> memref<1x!tpu.dma_semaphore, #tpu.memory_space<semaphore_mem>>
          %dma_wait3A_475 = tpu.memref_squeeze %dma_wait3A_474 : memref<1x!tpu.dma_semaphore, #tpu.memory_space<semaphore_mem>> -> memref<!tpu.dma_semaphore, #tpu.memory_space<semaphore_mem>>
          %dma_wait3A_476 = arith.constant 0 : i32
          %dma_wait3A_477 = arith.constant 0 : i32
          %dma_wait3A_478 = tpu.memref_slice %arg4[%dma_wait3A_464, %dma_wait3A_476, %dma_wait3A_477] : memref<4096x200x64xf32, #tpu.memory_space<hbm>> -> memref<1x200x64xf32, #tpu.memory_space<hbm>>
          %dma_wait3A_479 = tpu.memref_squeeze %dma_wait3A_478 : memref<1x200x64xf32, #tpu.memory_space<hbm>> -> memref<200x64xf32, #tpu.memory_space<hbm>>
          %dma_wait3A_480 = arith.constant 0 : i32
          %dma_wait3A_481 = arith.constant 0 : i32
          %dma_wait3A_482 = tpu.memref_slice %arg6[%dma_wait3A_463, %dma_wait3A_480, %dma_wait3A_481] : memref<4x200x64xf32, #tpu.memory_space<vmem>> -> memref<1x200x64xf32, #tpu.memory_space<vmem>>
          %dma_wait3A_483 = tpu.memref_squeeze %dma_wait3A_482 : memref<1x200x64xf32, #tpu.memory_space<vmem>> -> memref<200x64xf32, #tpu.memory_space<vmem>>
          tpu.wait_dma2 semaphore(%dma_wait3A_475 : memref<!tpu.dma_semaphore, #tpu.memory_space<semaphore_mem>>) src(%dma_wait3A_483 : memref<200x64xf32, #tpu.memory_space<vmem>>) dst(%dma_wait3A_479 : memref<200x64xf32, #tpu.memory_space<hbm>>)
        } else {
        }
        %dma_start3A_435 = arith.constant 1 : i32
        %dma_start3A_436 = arith.constant 1 : i32
        %dma_start3A_437 = arith.constant 0 : i32
        %dma_start3A_438 = arith.constant 0 : i32
        %dma_start3A_439 = tpu.memref_slice %arg6[%dma_start3A_435, %dma_start3A_437, %dma_start3A_438] : memref<4x200x64xf32, #tpu.memory_space<vmem>> -> memref<1x104x64xf32, #tpu.memory_space<vmem>>
        %dma_start3A_440 = tpu.memref_squeeze %dma_start3A_439 : memref<1x104x64xf32, #tpu.memory_space<vmem>> -> memref<104x64xf32, #tpu.memory_space<vmem>>
        %dma_start3A_441 = arith.constant 0 : i32
        %dma_start3A_442 = tpu.memref_slice %arg5[%sub3A_310, %dma_start3A_441] : memref<128x200xi32, #tpu.memory_space<vmem>> -> memref<1x104xi32, #tpu.memory_space<vmem>>
        %dma_start3A_443 = tpu.memref_squeeze %dma_start3A_442 : memref<1x104xi32, #tpu.memory_space<vmem>> -> memref<104xi32, #tpu.memory_space<vmem>>
        %dma_start3A_444 = arith.constant 0 : i32
        %dma_start3A_445 = arith.constant 0 : i32
        %dma_start3A_446 = tpu.memref_slice %arg3[%dma_start3A_444, %dma_start3A_445] : memref<1000000x64xf32, #tpu.memory_space<hbm>> -> memref<1000000x64xf32, #tpu.memory_space<hbm>>
        %dma_start3A_447 = tpu.memref_slice %arg7[%dma_start3A_436] : memref<4x!tpu.dma_semaphore, #tpu.memory_space<semaphore_mem>> -> memref<1x!tpu.dma_semaphore, #tpu.memory_space<semaphore_mem>>
        %dma_start3A_448 = tpu.memref_squeeze %dma_start3A_447 : memref<1x!tpu.dma_semaphore, #tpu.memory_space<semaphore_mem>> -> memref<!tpu.dma_semaphore, #tpu.memory_space<semaphore_mem>>
        tpu.enqueue_indirect_dma source(%dma_start3A_446 : memref<1000000x64xf32, #tpu.memory_space<hbm>>) target(%dma_start3A_440 : memref<104x64xf32, #tpu.memory_space<vmem>>) offsets(%dma_start3A_443 : memref<104xi32, #tpu.memory_space<vmem>>) semaphore(%dma_start3A_448 : memref<!tpu.dma_semaphore, #tpu.memory_space<semaphore_mem>>)
        %dma_start3A_449 = arith.constant 1 : i32
        %dma_start3A_450 = arith.constant 1 : i32
        %dma_start3A_451 = arith.constant 104 : i32
        %dma_start3A_452 = arith.constant 0 : i32
        %dma_start3A_453 = tpu.memref_slice %arg6[%dma_start3A_449, %dma_start3A_451, %dma_start3A_452] : memref<4x200x64xf32, #tpu.memory_space<vmem>> -> memref<1x96x64xf32, #tpu.memory_space<vmem>>
        %dma_start3A_454 = tpu.memref_squeeze %dma_start3A_453 : memref<1x96x64xf32, #tpu.memory_space<vmem>> -> memref<96x64xf32, #tpu.memory_space<vmem>>
        %dma_start3A_455 = arith.constant 104 : i32
        %dma_start3A_456 = tpu.memref_slice %arg5[%sub3A_310, %dma_start3A_455] : memref<128x200xi32, #tpu.memory_space<vmem>> -> memref<1x96xi32, #tpu.memory_space<vmem>>
        %dma_start3A_457 = tpu.memref_squeeze %dma_start3A_456 : memref<1x96xi32, #tpu.memory_space<vmem>> -> memref<96xi32, #tpu.memory_space<vmem>>
        %dma_start3A_458 = arith.constant 0 : i32
        %dma_start3A_459 = arith.constant 0 : i32
        %dma_start3A_460 = tpu.memref_slice %arg3[%dma_start3A_458, %dma_start3A_459] : memref<1000000x64xf32, #tpu.memory_space<hbm>> -> memref<1000000x64xf32, #tpu.memory_space<hbm>>
        %dma_start3A_461 = tpu.memref_slice %arg7[%dma_start3A_450] : memref<4x!tpu.dma_semaphore, #tpu.memory_space<semaphore_mem>> -> memref<1x!tpu.dma_semaphore, #tpu.memory_space<semaphore_mem>>
        %dma_start3A_462 = tpu.memref_squeeze %dma_start3A_461 : memref<1x!tpu.dma_semaphore, #tpu.memory_space<semaphore_mem>> -> memref<!tpu.dma_semaphore, #tpu.memory_space<semaphore_mem>>
        tpu.enqueue_indirect_dma source(%dma_start3A_460 : memref<1000000x64xf32, #tpu.memory_space<hbm>>) target(%dma_start3A_454 : memref<96x64xf32, #tpu.memory_space<vmem>>) offsets(%dma_start3A_457 : memref<96xi32, #tpu.memory_space<vmem>>) semaphore(%dma_start3A_462 : memref<!tpu.dma_semaphore, #tpu.memory_space<semaphore_mem>>)
      } else {
      }
      %dma_wait3A_316 = arith.constant 2 : i32
      %dma_wait3A_317 = arith.constant 2 : i32
      %dma_wait3A_318 = arith.constant 0 : i32
      %dma_wait3A_319 = arith.constant 0 : i32
      %dma_wait3A_320 = tpu.memref_slice %arg6[%dma_wait3A_316, %dma_wait3A_318, %dma_wait3A_319] : memref<4x200x64xf32, #tpu.memory_space<vmem>> -> memref<1x104x64xf32, #tpu.memory_space<vmem>>
      %dma_wait3A_321 = tpu.memref_squeeze %dma_wait3A_320 : memref<1x104x64xf32, #tpu.memory_space<vmem>> -> memref<104x64xf32, #tpu.memory_space<vmem>>
      %dma_wait3A_322 = arith.constant 0 : i32
      %dma_wait3A_323 = tpu.memref_slice %arg5[%add3A_306, %dma_wait3A_322] : memref<128x200xi32, #tpu.memory_space<vmem>> -> memref<1x104xi32, #tpu.memory_space<vmem>>
      %dma_wait3A_324 = tpu.memref_squeeze %dma_wait3A_323 : memref<1x104xi32, #tpu.memory_space<vmem>> -> memref<104xi32, #tpu.memory_space<vmem>>
      %dma_wait3A_325 = arith.constant 0 : i32
      %dma_wait3A_326 = arith.constant 0 : i32
      %dma_wait3A_327 = tpu.memref_slice %arg3[%dma_wait3A_325, %dma_wait3A_326] : memref<1000000x64xf32, #tpu.memory_space<hbm>> -> memref<1000000x64xf32, #tpu.memory_space<hbm>>
      %dma_wait3A_328 = tpu.memref_slice %arg7[%dma_wait3A_317] : memref<4x!tpu.dma_semaphore, #tpu.memory_space<semaphore_mem>> -> memref<1x!tpu.dma_semaphore, #tpu.memory_space<semaphore_mem>>
      %dma_wait3A_329 = tpu.memref_squeeze %dma_wait3A_328 : memref<1x!tpu.dma_semaphore, #tpu.memory_space<semaphore_mem>> -> memref<!tpu.dma_semaphore, #tpu.memory_space<semaphore_mem>>
      tpu.wait_indirect_dma semaphore(%dma_wait3A_329 : memref<!tpu.dma_semaphore, #tpu.memory_space<semaphore_mem>>) src(%dma_wait3A_327 : memref<1000000x64xf32, #tpu.memory_space<hbm>>) dst(%dma_wait3A_321 : memref<104x64xf32, #tpu.memory_space<vmem>>)
      %dma_wait3A_330 = arith.constant 2 : i32
      %dma_wait3A_331 = arith.constant 2 : i32
      %dma_wait3A_332 = arith.constant 104 : i32
      %dma_wait3A_333 = arith.constant 0 : i32
      %dma_wait3A_334 = tpu.memref_slice %arg6[%dma_wait3A_330, %dma_wait3A_332, %dma_wait3A_333] : memref<4x200x64xf32, #tpu.memory_space<vmem>> -> memref<1x96x64xf32, #tpu.memory_space<vmem>>
      %dma_wait3A_335 = tpu.memref_squeeze %dma_wait3A_334 : memref<1x96x64xf32, #tpu.memory_space<vmem>> -> memref<96x64xf32, #tpu.memory_space<vmem>>
      %dma_wait3A_336 = arith.constant 104 : i32
      %dma_wait3A_337 = tpu.memref_slice %arg5[%add3A_306, %dma_wait3A_336] : memref<128x200xi32, #tpu.memory_space<vmem>> -> memref<1x96xi32, #tpu.memory_space<vmem>>
      %dma_wait3A_338 = tpu.memref_squeeze %dma_wait3A_337 : memref<1x96xi32, #tpu.memory_space<vmem>> -> memref<96xi32, #tpu.memory_space<vmem>>
      %dma_wait3A_339 = arith.constant 0 : i32
      %dma_wait3A_340 = arith.constant 0 : i32
      %dma_wait3A_341 = tpu.memref_slice %arg3[%dma_wait3A_339, %dma_wait3A_340] : memref<1000000x64xf32, #tpu.memory_space<hbm>> -> memref<1000000x64xf32, #tpu.memory_space<hbm>>
      %dma_wait3A_342 = tpu.memref_slice %arg7[%dma_wait3A_331] : memref<4x!tpu.dma_semaphore, #tpu.memory_space<semaphore_mem>> -> memref<1x!tpu.dma_semaphore, #tpu.memory_space<semaphore_mem>>
      %dma_wait3A_343 = tpu.memref_squeeze %dma_wait3A_342 : memref<1x!tpu.dma_semaphore, #tpu.memory_space<semaphore_mem>> -> memref<!tpu.dma_semaphore, #tpu.memory_space<semaphore_mem>>
      tpu.wait_indirect_dma semaphore(%dma_wait3A_343 : memref<!tpu.dma_semaphore, #tpu.memory_space<semaphore_mem>>) src(%dma_wait3A_341 : memref<1000000x64xf32, #tpu.memory_space<hbm>>) dst(%dma_wait3A_335 : memref<96x64xf32, #tpu.memory_space<vmem>>)
      %parallel_loop3A_344 = arith.constant 0 : i32
      %parallel_loop3A_345 = arith.constant 200 : i32
      %parallel_loop3A_346 = arith.constant 1 : i32
      scf.for %parallel_loop3A_431 = %parallel_loop3A_344 to %parallel_loop3A_345 step %parallel_loop3A_346  : i32 {
        %parallel_loop3A_432 = arith.constant 2 : i32
        %parallel_loop3A_433 = arith.index_cast %parallel_loop3A_432 : i32 to index
        %parallel_loop3A_434 = arith.index_cast %parallel_loop3A_431 : i32 to index
        %parallel_loop3A_435 = arith.constant 0 : index
        %parallel_loop3A_436 = tpu.vector_load %arg6[%parallel_loop3A_433, %parallel_loop3A_434, %parallel_loop3A_435] {strides = array<i32>} : memref<4x200x64xf32, #tpu.memory_space<vmem>>, vector<1x1x16xf32>,
        %parallel_loop3A_437 = vector.shape_cast %parallel_loop3A_436 : vector<1x1x16xf32> to vector<16xf32>
        %parallel_loop3A_438 = arith.constant 8.000000e+00 : f32
        %parallel_loop3A_439 = vector.broadcast %parallel_loop3A_438 : f32 to vector<16xf32>
        %parallel_loop3A_440 = arith.mulf %parallel_loop3A_437, %parallel_loop3A_439 : vector<16xf32>
        %parallel_loop3A_441 = arith.constant 2 : i32
        %parallel_loop3A_442 = arith.index_cast %parallel_loop3A_441 : i32 to index
        %parallel_loop3A_443 = arith.index_cast %parallel_loop3A_431 : i32 to index
        %parallel_loop3A_444 = arith.constant 0 : index
        %parallel_loop3A_445 = tpu.vector_load %arg6[%parallel_loop3A_442, %parallel_loop3A_443, %parallel_loop3A_444] {strides = array<i32>} : memref<4x200x64xf32, #tpu.memory_space<vmem>>, vector<1x1x16xf32>,
        %parallel_loop3A_446 = vector.shape_cast %parallel_loop3A_445 : vector<1x1x16xf32> to vector<16xf32>
        %parallel_loop3A_447 = vector.shape_cast %parallel_loop3A_440 : vector<16xf32> to vector<1x1x16xf32>
        tpu.vector_store %arg6[%parallel_loop3A_442, %parallel_loop3A_443, %parallel_loop3A_444], %parallel_loop3A_447 {strides = array<i32>} : memref<4x200x64xf32, #tpu.memory_space<vmem>>, vector<1x1x16xf32>,
        %parallel_loop3A_448 = arith.constant 2 : i32
        %parallel_loop3A_449 = arith.index_cast %parallel_loop3A_448 : i32 to index
        %parallel_loop3A_450 = arith.index_cast %parallel_loop3A_431 : i32 to index
        %parallel_loop3A_451 = arith.constant 16 : index
        %parallel_loop3A_452 = tpu.vector_load %arg6[%parallel_loop3A_449, %parallel_loop3A_450, %parallel_loop3A_451] {strides = array<i32>} : memref<4x200x64xf32, #tpu.memory_space<vmem>>, vector<1x1x16xf32>,
        %parallel_loop3A_453 = vector.shape_cast %parallel_loop3A_452 : vector<1x1x16xf32> to vector<16xf32>
        %parallel_loop3A_454 = arith.constant 8.000000e+00 : f32
        %parallel_loop3A_455 = vector.broadcast %parallel_loop3A_454 : f32 to vector<16xf32>
        %parallel_loop3A_456 = arith.mulf %parallel_loop3A_453, %parallel_loop3A_455 : vector<16xf32>
        %parallel_loop3A_457 = arith.constant 2 : i32
        %parallel_loop3A_458 = arith.index_cast %parallel_loop3A_457 : i32 to index
        %parallel_loop3A_459 = arith.index_cast %parallel_loop3A_431 : i32 to index
        %parallel_loop3A_460 = arith.constant 16 : index
        %parallel_loop3A_461 = tpu.vector_load %arg6[%parallel_loop3A_458, %parallel_loop3A_459, %parallel_loop3A_460] {strides = array<i32>} : memref<4x200x64xf32, #tpu.memory_space<vmem>>, vector<1x1x16xf32>,
        %parallel_loop3A_462 = vector.shape_cast %parallel_loop3A_461 : vector<1x1x16xf32> to vector<16xf32>
        %parallel_loop3A_463 = vector.shape_cast %parallel_loop3A_456 : vector<16xf32> to vector<1x1x16xf32>
        tpu.vector_store %arg6[%parallel_loop3A_458, %parallel_loop3A_459, %parallel_loop3A_460], %parallel_loop3A_463 {strides = array<i32>} : memref<4x200x64xf32, #tpu.memory_space<vmem>>, vector<1x1x16xf32>,
        %parallel_loop3A_464 = arith.constant 2 : i32
        %parallel_loop3A_465 = arith.index_cast %parallel_loop3A_464 : i32 to index
        %parallel_loop3A_466 = arith.index_cast %parallel_loop3A_431 : i32 to index
        %parallel_loop3A_467 = arith.constant 32 : index
        %parallel_loop3A_468 = tpu.vector_load %arg6[%parallel_loop3A_465, %parallel_loop3A_466, %parallel_loop3A_467] {strides = array<i32>} : memref<4x200x64xf32, #tpu.memory_space<vmem>>, vector<1x1x16xf32>,
        %parallel_loop3A_469 = vector.shape_cast %parallel_loop3A_468 : vector<1x1x16xf32> to vector<16xf32>
        %parallel_loop3A_470 = arith.constant 8.000000e+00 : f32
        %parallel_loop3A_471 = vector.broadcast %parallel_loop3A_470 : f32 to vector<16xf32>
        %parallel_loop3A_472 = arith.mulf %parallel_loop3A_469, %parallel_loop3A_471 : vector<16xf32>
        %parallel_loop3A_473 = arith.constant 2 : i32
        %parallel_loop3A_474 = arith.index_cast %parallel_loop3A_473 : i32 to index
        %parallel_loop3A_475 = arith.index_cast %parallel_loop3A_431 : i32 to index
        %parallel_loop3A_476 = arith.constant 32 : index
        %parallel_loop3A_477 = tpu.vector_load %arg6[%parallel_loop3A_474, %parallel_loop3A_475, %parallel_loop3A_476] {strides = array<i32>} : memref<4x200x64xf32, #tpu.memory_space<vmem>>, vector<1x1x16xf32>,
        %parallel_loop3A_478 = vector.shape_cast %parallel_loop3A_477 : vector<1x1x16xf32> to vector<16xf32>
        %parallel_loop3A_479 = vector.shape_cast %parallel_loop3A_472 : vector<16xf32> to vector<1x1x16xf32>
        tpu.vector_store %arg6[%parallel_loop3A_474, %parallel_loop3A_475, %parallel_loop3A_476], %parallel_loop3A_479 {strides = array<i32>} : memref<4x200x64xf32, #tpu.memory_space<vmem>>, vector<1x1x16xf32>,
        %parallel_loop3A_480 = arith.constant 2 : i32
        %parallel_loop3A_481 = arith.index_cast %parallel_loop3A_480 : i32 to index
        %parallel_loop3A_482 = arith.index_cast %parallel_loop3A_431 : i32 to index
        %parallel_loop3A_483 = arith.constant 48 : index
        %parallel_loop3A_484 = tpu.vector_load %arg6[%parallel_loop3A_481, %parallel_loop3A_482, %parallel_loop3A_483] {strides = array<i32>} : memref<4x200x64xf32, #tpu.memory_space<vmem>>, vector<1x1x16xf32>,
        %parallel_loop3A_485 = vector.shape_cast %parallel_loop3A_484 : vector<1x1x16xf32> to vector<16xf32>
        %parallel_loop3A_486 = arith.constant 8.000000e+00 : f32
        %parallel_loop3A_487 = vector.broadcast %parallel_loop3A_486 : f32 to vector<16xf32>
        %parallel_loop3A_488 = arith.mulf %parallel_loop3A_485, %parallel_loop3A_487 : vector<16xf32>
        %parallel_loop3A_489 = arith.constant 2 : i32
        %parallel_loop3A_490 = arith.index_cast %parallel_loop3A_489 : i32 to index
        %parallel_loop3A_491 = arith.index_cast %parallel_loop3A_431 : i32 to index
        %parallel_loop3A_492 = arith.constant 48 : index
        %parallel_loop3A_493 = tpu.vector_load %arg6[%parallel_loop3A_490, %parallel_loop3A_491, %parallel_loop3A_492] {strides = array<i32>} : memref<4x200x64xf32, #tpu.memory_space<vmem>>, vector<1x1x16xf32>,
        %parallel_loop3A_494 = vector.shape_cast %parallel_loop3A_493 : vector<1x1x16xf32> to vector<16xf32>
        %parallel_loop3A_495 = vector.shape_cast %parallel_loop3A_488 : vector<16xf32> to vector<1x1x16xf32>
        tpu.vector_store %arg6[%parallel_loop3A_490, %parallel_loop3A_491, %parallel_loop3A_492], %parallel_loop3A_495 {strides = array<i32>} : memref<4x200x64xf32, #tpu.memory_space<vmem>>, vector<1x1x16xf32>,
      } {sc.loop_unroll_factor = 4 : i64, sc.parallel_access}
      %add3A_347 = arith.addi %mul3A_2, %add3A_306 : i32
      %dma_start3A_348 = arith.constant 2 : i32
      %dma_start3A_349 = arith.constant 2 : i32
      %dma_start3A_350 = arith.constant 0 : i32
      %dma_start3A_351 = arith.constant 0 : i32
      %dma_start3A_352 = tpu.memref_slice %arg6[%dma_start3A_348, %dma_start3A_350, %dma_start3A_351] : memref<4x200x64xf32, #tpu.memory_space<vmem>> -> memref<1x200x64xf32, #tpu.memory_space<vmem>>
      %dma_start3A_353 = tpu.memref_squeeze %dma_start3A_352 : memref<1x200x64xf32, #tpu.memory_space<vmem>> -> memref<200x64xf32, #tpu.memory_space<vmem>>
      %dma_start3A_354 = arith.constant 0 : i32
      %dma_start3A_355 = arith.constant 0 : i32
      %dma_start3A_356 = tpu.memref_slice %arg4[%add3A_347, %dma_start3A_354, %dma_start3A_355] : memref<4096x200x64xf32, #tpu.memory_space<hbm>> -> memref<1x200x64xf32, #tpu.memory_space<hbm>>
      %dma_start3A_357 = tpu.memref_squeeze %dma_start3A_356 : memref<1x200x64xf32, #tpu.memory_space<hbm>> -> memref<200x64xf32, #tpu.memory_space<hbm>>
      %dma_start3A_358 = tpu.memref_slice %arg8[%dma_start3A_349] : memref<4x!tpu.dma_semaphore, #tpu.memory_space<semaphore_mem>> -> memref<1x!tpu.dma_semaphore, #tpu.memory_space<semaphore_mem>>
      %dma_start3A_359 = tpu.memref_squeeze %dma_start3A_358 : memref<1x!tpu.dma_semaphore, #tpu.memory_space<semaphore_mem>> -> memref<!tpu.dma_semaphore, #tpu.memory_space<semaphore_mem>>
      %dma_start3A_360 = arith.constant 0 : i32
      %dma_start3A_361 = arith.constant 0 : i32
      %dma_start3A_362 = tpu.memref_slice %arg4[%add3A_347, %dma_start3A_360, %dma_start3A_361] : memref<4096x200x64xf32, #tpu.memory_space<hbm>> -> memref<1x200x64xf32, #tpu.memory_space<hbm>>
      %dma_start3A_363 = tpu.memref_squeeze %dma_start3A_362 : memref<1x200x64xf32, #tpu.memory_space<hbm>> -> memref<200x64xf32, #tpu.memory_space<hbm>>
      %dma_start3A_364 = arith.constant 0 : i32
      %dma_start3A_365 = arith.constant 0 : i32
      %dma_start3A_366 = tpu.memref_slice %arg6[%dma_start3A_348, %dma_start3A_364, %dma_start3A_365] : memref<4x200x64xf32, #tpu.memory_space<vmem>> -> memref<1x200x64xf32, #tpu.memory_space<vmem>>
      %dma_start3A_367 = tpu.memref_squeeze %dma_start3A_366 : memref<1x200x64xf32, #tpu.memory_space<vmem>> -> memref<200x64xf32, #tpu.memory_space<vmem>>
      tpu.enqueue_dma source(%dma_start3A_367 : memref<200x64xf32, #tpu.memory_space<vmem>>) target(%dma_start3A_363 : memref<200x64xf32, #tpu.memory_space<hbm>>) target_semaphore(%dma_start3A_359 : memref<!tpu.dma_semaphore, #tpu.memory_space<semaphore_mem>>)
      %add3A_368 = arith.constant 3 : i32
      %add3A_369 = arith.addi %add3A_183, %add3A_368 : i32
      %add3A_370 = arith.constant 4 : i32
      %add3A_371 = arith.addi %add3A_369, %add3A_370 : i32
      %sub3A_372 = arith.constant 1 : i32
      %sub3A_373 = arith.subi %add3A_371, %sub3A_372 : i32
      %lt3A_374 = arith.constant 128 : i32
      %lt3A_375 = arith.cmpi slt, %sub3A_373, %lt3A_374 : i32
      %convert_element_type3A_376 = arith.extui %lt3A_375 : i1 to i32
      %cond3A_377 = arith.constant 0 : i32
      %cond3A_378 = arith.cmpi ne, %convert_element_type3A_376, %cond3A_377 : i32
      scf.if %cond3A_378 {
        %gt3A = arith.constant 0 : i32
        %gt3A_431 = arith.cmpi sgt, %add3A_369, %gt3A : i32
        %convert_element_type3A_432 = arith.extui %gt3A_431 : i1 to i32
        %cond3A_433 = arith.constant 0 : i32
        %cond3A_434 = arith.cmpi ne, %convert_element_type3A_432, %cond3A_433 : i32
        scf.if %cond3A_434 {
          %dma_wait3A_463 = arith.constant 2 : i32
          %dma_wait3A_464 = arith.constant 0 : i32
          %dma_wait3A_465 = arith.constant 2 : i32
          %dma_wait3A_466 = arith.constant 0 : i32
          %dma_wait3A_467 = arith.constant 0 : i32
          %dma_wait3A_468 = tpu.memref_slice %arg6[%dma_wait3A_463, %dma_wait3A_466, %dma_wait3A_467] : memref<4x200x64xf32, #tpu.memory_space<vmem>> -> memref<1x200x64xf32, #tpu.memory_space<vmem>>
          %dma_wait3A_469 = tpu.memref_squeeze %dma_wait3A_468 : memref<1x200x64xf32, #tpu.memory_space<vmem>> -> memref<200x64xf32, #tpu.memory_space<vmem>>
          %dma_wait3A_470 = arith.constant 0 : i32
          %dma_wait3A_471 = arith.constant 0 : i32
          %dma_wait3A_472 = tpu.memref_slice %arg4[%dma_wait3A_464, %dma_wait3A_470, %dma_wait3A_471] : memref<4096x200x64xf32, #tpu.memory_space<hbm>> -> memref<1x200x64xf32, #tpu.memory_space<hbm>>
          %dma_wait3A_473 = tpu.memref_squeeze %dma_wait3A_472 : memref<1x200x64xf32, #tpu.memory_space<hbm>> -> memref<200x64xf32, #tpu.memory_space<hbm>>
          %dma_wait3A_474 = tpu.memref_slice %arg8[%dma_wait3A_465] : memref<4x!tpu.dma_semaphore, #tpu.memory_space<semaphore_mem>> -> memref<1x!tpu.dma_semaphore, #tpu.memory_space<semaphore_mem>>
          %dma_wait3A_475 = tpu.memref_squeeze %dma_wait3A_474 : memref<1x!tpu.dma_semaphore, #tpu.memory_space<semaphore_mem>> -> memref<!tpu.dma_semaphore, #tpu.memory_space<semaphore_mem>>
          %dma_wait3A_476 = arith.constant 0 : i32
          %dma_wait3A_477 = arith.constant 0 : i32
          %dma_wait3A_478 = tpu.memref_slice %arg4[%dma_wait3A_464, %dma_wait3A_476, %dma_wait3A_477] : memref<4096x200x64xf32, #tpu.memory_space<hbm>> -> memref<1x200x64xf32, #tpu.memory_space<hbm>>
          %dma_wait3A_479 = tpu.memref_squeeze %dma_wait3A_478 : memref<1x200x64xf32, #tpu.memory_space<hbm>> -> memref<200x64xf32, #tpu.memory_space<hbm>>
          %dma_wait3A_480 = arith.constant 0 : i32
          %dma_wait3A_481 = arith.constant 0 : i32
          %dma_wait3A_482 = tpu.memref_slice %arg6[%dma_wait3A_463, %dma_wait3A_480, %dma_wait3A_481] : memref<4x200x64xf32, #tpu.memory_space<vmem>> -> memref<1x200x64xf32, #tpu.memory_space<vmem>>
          %dma_wait3A_483 = tpu.memref_squeeze %dma_wait3A_482 : memref<1x200x64xf32, #tpu.memory_space<vmem>> -> memref<200x64xf32, #tpu.memory_space<vmem>>
          tpu.wait_dma2 semaphore(%dma_wait3A_475 : memref<!tpu.dma_semaphore, #tpu.memory_space<semaphore_mem>>) src(%dma_wait3A_483 : memref<200x64xf32, #tpu.memory_space<vmem>>) dst(%dma_wait3A_479 : memref<200x64xf32, #tpu.memory_space<hbm>>)
        } else {
        }
        %dma_start3A_435 = arith.constant 2 : i32
        %dma_start3A_436 = arith.constant 2 : i32
        %dma_start3A_437 = arith.constant 0 : i32
        %dma_start3A_438 = arith.constant 0 : i32
        %dma_start3A_439 = tpu.memref_slice %arg6[%dma_start3A_435, %dma_start3A_437, %dma_start3A_438] : memref<4x200x64xf32, #tpu.memory_space<vmem>> -> memref<1x104x64xf32, #tpu.memory_space<vmem>>
        %dma_start3A_440 = tpu.memref_squeeze %dma_start3A_439 : memref<1x104x64xf32, #tpu.memory_space<vmem>> -> memref<104x64xf32, #tpu.memory_space<vmem>>
        %dma_start3A_441 = arith.constant 0 : i32
        %dma_start3A_442 = tpu.memref_slice %arg5[%sub3A_373, %dma_start3A_441] : memref<128x200xi32, #tpu.memory_space<vmem>> -> memref<1x104xi32, #tpu.memory_space<vmem>>
        %dma_start3A_443 = tpu.memref_squeeze %dma_start3A_442 : memref<1x104xi32, #tpu.memory_space<vmem>> -> memref<104xi32, #tpu.memory_space<vmem>>
        %dma_start3A_444 = arith.constant 0 : i32
        %dma_start3A_445 = arith.constant 0 : i32
        %dma_start3A_446 = tpu.memref_slice %arg3[%dma_start3A_444, %dma_start3A_445] : memref<1000000x64xf32, #tpu.memory_space<hbm>> -> memref<1000000x64xf32, #tpu.memory_space<hbm>>
        %dma_start3A_447 = tpu.memref_slice %arg7[%dma_start3A_436] : memref<4x!tpu.dma_semaphore, #tpu.memory_space<semaphore_mem>> -> memref<1x!tpu.dma_semaphore, #tpu.memory_space<semaphore_mem>>
        %dma_start3A_448 = tpu.memref_squeeze %dma_start3A_447 : memref<1x!tpu.dma_semaphore, #tpu.memory_space<semaphore_mem>> -> memref<!tpu.dma_semaphore, #tpu.memory_space<semaphore_mem>>
        tpu.enqueue_indirect_dma source(%dma_start3A_446 : memref<1000000x64xf32, #tpu.memory_space<hbm>>) target(%dma_start3A_440 : memref<104x64xf32, #tpu.memory_space<vmem>>) offsets(%dma_start3A_443 : memref<104xi32, #tpu.memory_space<vmem>>) semaphore(%dma_start3A_448 : memref<!tpu.dma_semaphore, #tpu.memory_space<semaphore_mem>>)
        %dma_start3A_449 = arith.constant 2 : i32
        %dma_start3A_450 = arith.constant 2 : i32
        %dma_start3A_451 = arith.constant 104 : i32
        %dma_start3A_452 = arith.constant 0 : i32
        %dma_start3A_453 = tpu.memref_slice %arg6[%dma_start3A_449, %dma_start3A_451, %dma_start3A_452] : memref<4x200x64xf32, #tpu.memory_space<vmem>> -> memref<1x96x64xf32, #tpu.memory_space<vmem>>
        %dma_start3A_454 = tpu.memref_squeeze %dma_start3A_453 : memref<1x96x64xf32, #tpu.memory_space<vmem>> -> memref<96x64xf32, #tpu.memory_space<vmem>>
        %dma_start3A_455 = arith.constant 104 : i32
        %dma_start3A_456 = tpu.memref_slice %arg5[%sub3A_373, %dma_start3A_455] : memref<128x200xi32, #tpu.memory_space<vmem>> -> memref<1x96xi32, #tpu.memory_space<vmem>>
        %dma_start3A_457 = tpu.memref_squeeze %dma_start3A_456 : memref<1x96xi32, #tpu.memory_space<vmem>> -> memref<96xi32, #tpu.memory_space<vmem>>
        %dma_start3A_458 = arith.constant 0 : i32
        %dma_start3A_459 = arith.constant 0 : i32
        %dma_start3A_460 = tpu.memref_slice %arg3[%dma_start3A_458, %dma_start3A_459] : memref<1000000x64xf32, #tpu.memory_space<hbm>> -> memref<1000000x64xf32, #tpu.memory_space<hbm>>
        %dma_start3A_461 = tpu.memref_slice %arg7[%dma_start3A_450] : memref<4x!tpu.dma_semaphore, #tpu.memory_space<semaphore_mem>> -> memref<1x!tpu.dma_semaphore, #tpu.memory_space<semaphore_mem>>
        %dma_start3A_462 = tpu.memref_squeeze %dma_start3A_461 : memref<1x!tpu.dma_semaphore, #tpu.memory_space<semaphore_mem>> -> memref<!tpu.dma_semaphore, #tpu.memory_space<semaphore_mem>>
        tpu.enqueue_indirect_dma source(%dma_start3A_460 : memref<1000000x64xf32, #tpu.memory_space<hbm>>) target(%dma_start3A_454 : memref<96x64xf32, #tpu.memory_space<vmem>>) offsets(%dma_start3A_457 : memref<96xi32, #tpu.memory_space<vmem>>) semaphore(%dma_start3A_462 : memref<!tpu.dma_semaphore, #tpu.memory_space<semaphore_mem>>)
      } else {
      }
      %dma_wait3A_379 = arith.constant 3 : i32
      %dma_wait3A_380 = arith.constant 3 : i32
      %dma_wait3A_381 = arith.constant 0 : i32
      %dma_wait3A_382 = arith.constant 0 : i32
      %dma_wait3A_383 = tpu.memref_slice %arg6[%dma_wait3A_379, %dma_wait3A_381, %dma_wait3A_382] : memref<4x200x64xf32, #tpu.memory_space<vmem>> -> memref<1x104x64xf32, #tpu.memory_space<vmem>>
      %dma_wait3A_384 = tpu.memref_squeeze %dma_wait3A_383 : memref<1x104x64xf32, #tpu.memory_space<vmem>> -> memref<104x64xf32, #tpu.memory_space<vmem>>
      %dma_wait3A_385 = arith.constant 0 : i32
      %dma_wait3A_386 = tpu.memref_slice %arg5[%add3A_369, %dma_wait3A_385] : memref<128x200xi32, #tpu.memory_space<vmem>> -> memref<1x104xi32, #tpu.memory_space<vmem>>
      %dma_wait3A_387 = tpu.memref_squeeze %dma_wait3A_386 : memref<1x104xi32, #tpu.memory_space<vmem>> -> memref<104xi32, #tpu.memory_space<vmem>>
      %dma_wait3A_388 = arith.constant 0 : i32
      %dma_wait3A_389 = arith.constant 0 : i32
      %dma_wait3A_390 = tpu.memref_slice %arg3[%dma_wait3A_388, %dma_wait3A_389] : memref<1000000x64xf32, #tpu.memory_space<hbm>> -> memref<1000000x64xf32, #tpu.memory_space<hbm>>
      %dma_wait3A_391 = tpu.memref_slice %arg7[%dma_wait3A_380] : memref<4x!tpu.dma_semaphore, #tpu.memory_space<semaphore_mem>> -> memref<1x!tpu.dma_semaphore, #tpu.memory_space<semaphore_mem>>
      %dma_wait3A_392 = tpu.memref_squeeze %dma_wait3A_391 : memref<1x!tpu.dma_semaphore, #tpu.memory_space<semaphore_mem>> -> memref<!tpu.dma_semaphore, #tpu.memory_space<semaphore_mem>>
      tpu.wait_indirect_dma semaphore(%dma_wait3A_392 : memref<!tpu.dma_semaphore, #tpu.memory_space<semaphore_mem>>) src(%dma_wait3A_390 : memref<1000000x64xf32, #tpu.memory_space<hbm>>) dst(%dma_wait3A_384 : memref<104x64xf32, #tpu.memory_space<vmem>>)
      %dma_wait3A_393 = arith.constant 3 : i32
      %dma_wait3A_394 = arith.constant 3 : i32
      %dma_wait3A_395 = arith.constant 104 : i32
      %dma_wait3A_396 = arith.constant 0 : i32
      %dma_wait3A_397 = tpu.memref_slice %arg6[%dma_wait3A_393, %dma_wait3A_395, %dma_wait3A_396] : memref<4x200x64xf32, #tpu.memory_space<vmem>> -> memref<1x96x64xf32, #tpu.memory_space<vmem>>
      %dma_wait3A_398 = tpu.memref_squeeze %dma_wait3A_397 : memref<1x96x64xf32, #tpu.memory_space<vmem>> -> memref<96x64xf32, #tpu.memory_space<vmem>>
      %dma_wait3A_399 = arith.constant 104 : i32
      %dma_wait3A_400 = tpu.memref_slice %arg5[%add3A_369, %dma_wait3A_399] : memref<128x200xi32, #tpu.memory_space<vmem>> -> memref<1x96xi32, #tpu.memory_space<vmem>>
      %dma_wait3A_401 = tpu.memref_squeeze %dma_wait3A_400 : memref<1x96xi32, #tpu.memory_space<vmem>> -> memref<96xi32, #tpu.memory_space<vmem>>
      %dma_wait3A_402 = arith.constant 0 : i32
      %dma_wait3A_403 = arith.constant 0 : i32
      %dma_wait3A_404 = tpu.memref_slice %arg3[%dma_wait3A_402, %dma_wait3A_403] : memref<1000000x64xf32, #tpu.memory_space<hbm>> -> memref<1000000x64xf32, #tpu.memory_space<hbm>>
      %dma_wait3A_405 = tpu.memref_slice %arg7[%dma_wait3A_394] : memref<4x!tpu.dma_semaphore, #tpu.memory_space<semaphore_mem>> -> memref<1x!tpu.dma_semaphore, #tpu.memory_space<semaphore_mem>>
      %dma_wait3A_406 = tpu.memref_squeeze %dma_wait3A_405 : memref<1x!tpu.dma_semaphore, #tpu.memory_space<semaphore_mem>> -> memref<!tpu.dma_semaphore, #tpu.memory_space<semaphore_mem>>
      tpu.wait_indirect_dma semaphore(%dma_wait3A_406 : memref<!tpu.dma_semaphore, #tpu.memory_space<semaphore_mem>>) src(%dma_wait3A_404 : memref<1000000x64xf32, #tpu.memory_space<hbm>>) dst(%dma_wait3A_398 : memref<96x64xf32, #tpu.memory_space<vmem>>)
      %parallel_loop3A_407 = arith.constant 0 : i32
      %parallel_loop3A_408 = arith.constant 200 : i32
      %parallel_loop3A_409 = arith.constant 1 : i32
      scf.for %parallel_loop3A_431 = %parallel_loop3A_407 to %parallel_loop3A_408 step %parallel_loop3A_409  : i32 {
        %parallel_loop3A_432 = arith.constant 3 : i32
        %parallel_loop3A_433 = arith.index_cast %parallel_loop3A_432 : i32 to index
        %parallel_loop3A_434 = arith.index_cast %parallel_loop3A_431 : i32 to index
        %parallel_loop3A_435 = arith.constant 0 : index
        %parallel_loop3A_436 = tpu.vector_load %arg6[%parallel_loop3A_433, %parallel_loop3A_434, %parallel_loop3A_435] {strides = array<i32>} : memref<4x200x64xf32, #tpu.memory_space<vmem>>, vector<1x1x16xf32>,
        %parallel_loop3A_437 = vector.shape_cast %parallel_loop3A_436 : vector<1x1x16xf32> to vector<16xf32>
        %parallel_loop3A_438 = arith.constant 8.000000e+00 : f32
        %parallel_loop3A_439 = vector.broadcast %parallel_loop3A_438 : f32 to vector<16xf32>
        %parallel_loop3A_440 = arith.mulf %parallel_loop3A_437, %parallel_loop3A_439 : vector<16xf32>
        %parallel_loop3A_441 = arith.constant 3 : i32
        %parallel_loop3A_442 = arith.index_cast %parallel_loop3A_441 : i32 to index
        %parallel_loop3A_443 = arith.index_cast %parallel_loop3A_431 : i32 to index
        %parallel_loop3A_444 = arith.constant 0 : index
        %parallel_loop3A_445 = tpu.vector_load %arg6[%parallel_loop3A_442, %parallel_loop3A_443, %parallel_loop3A_444] {strides = array<i32>} : memref<4x200x64xf32, #tpu.memory_space<vmem>>, vector<1x1x16xf32>,
        %parallel_loop3A_446 = vector.shape_cast %parallel_loop3A_445 : vector<1x1x16xf32> to vector<16xf32>
        %parallel_loop3A_447 = vector.shape_cast %parallel_loop3A_440 : vector<16xf32> to vector<1x1x16xf32>
        tpu.vector_store %arg6[%parallel_loop3A_442, %parallel_loop3A_443, %parallel_loop3A_444], %parallel_loop3A_447 {strides = array<i32>} : memref<4x200x64xf32, #tpu.memory_space<vmem>>, vector<1x1x16xf32>,
        %parallel_loop3A_448 = arith.constant 3 : i32
        %parallel_loop3A_449 = arith.index_cast %parallel_loop3A_448 : i32 to index
        %parallel_loop3A_450 = arith.index_cast %parallel_loop3A_431 : i32 to index
        %parallel_loop3A_451 = arith.constant 16 : index
        %parallel_loop3A_452 = tpu.vector_load %arg6[%parallel_loop3A_449, %parallel_loop3A_450, %parallel_loop3A_451] {strides = array<i32>} : memref<4x200x64xf32, #tpu.memory_space<vmem>>, vector<1x1x16xf32>,
        %parallel_loop3A_453 = vector.shape_cast %parallel_loop3A_452 : vector<1x1x16xf32> to vector<16xf32>
        %parallel_loop3A_454 = arith.constant 8.000000e+00 : f32
        %parallel_loop3A_455 = vector.broadcast %parallel_loop3A_454 : f32 to vector<16xf32>
        %parallel_loop3A_456 = arith.mulf %parallel_loop3A_453, %parallel_loop3A_455 : vector<16xf32>
        %parallel_loop3A_457 = arith.constant 3 : i32
        %parallel_loop3A_458 = arith.index_cast %parallel_loop3A_457 : i32 to index
        %parallel_loop3A_459 = arith.index_cast %parallel_loop3A_431 : i32 to index
        %parallel_loop3A_460 = arith.constant 16 : index
        %parallel_loop3A_461 = tpu.vector_load %arg6[%parallel_loop3A_458, %parallel_loop3A_459, %parallel_loop3A_460] {strides = array<i32>} : memref<4x200x64xf32, #tpu.memory_space<vmem>>, vector<1x1x16xf32>,
        %parallel_loop3A_462 = vector.shape_cast %parallel_loop3A_461 : vector<1x1x16xf32> to vector<16xf32>
        %parallel_loop3A_463 = vector.shape_cast %parallel_loop3A_456 : vector<16xf32> to vector<1x1x16xf32>
        tpu.vector_store %arg6[%parallel_loop3A_458, %parallel_loop3A_459, %parallel_loop3A_460], %parallel_loop3A_463 {strides = array<i32>} : memref<4x200x64xf32, #tpu.memory_space<vmem>>, vector<1x1x16xf32>,
        %parallel_loop3A_464 = arith.constant 3 : i32
        %parallel_loop3A_465 = arith.index_cast %parallel_loop3A_464 : i32 to index
        %parallel_loop3A_466 = arith.index_cast %parallel_loop3A_431 : i32 to index
        %parallel_loop3A_467 = arith.constant 32 : index
        %parallel_loop3A_468 = tpu.vector_load %arg6[%parallel_loop3A_465, %parallel_loop3A_466, %parallel_loop3A_467] {strides = array<i32>} : memref<4x200x64xf32, #tpu.memory_space<vmem>>, vector<1x1x16xf32>,
        %parallel_loop3A_469 = vector.shape_cast %parallel_loop3A_468 : vector<1x1x16xf32> to vector<16xf32>
        %parallel_loop3A_470 = arith.constant 8.000000e+00 : f32
        %parallel_loop3A_471 = vector.broadcast %parallel_loop3A_470 : f32 to vector<16xf32>
        %parallel_loop3A_472 = arith.mulf %parallel_loop3A_469, %parallel_loop3A_471 : vector<16xf32>
        %parallel_loop3A_473 = arith.constant 3 : i32
        %parallel_loop3A_474 = arith.index_cast %parallel_loop3A_473 : i32 to index
        %parallel_loop3A_475 = arith.index_cast %parallel_loop3A_431 : i32 to index
        %parallel_loop3A_476 = arith.constant 32 : index
        %parallel_loop3A_477 = tpu.vector_load %arg6[%parallel_loop3A_474, %parallel_loop3A_475, %parallel_loop3A_476] {strides = array<i32>} : memref<4x200x64xf32, #tpu.memory_space<vmem>>, vector<1x1x16xf32>,
        %parallel_loop3A_478 = vector.shape_cast %parallel_loop3A_477 : vector<1x1x16xf32> to vector<16xf32>
        %parallel_loop3A_479 = vector.shape_cast %parallel_loop3A_472 : vector<16xf32> to vector<1x1x16xf32>
        tpu.vector_store %arg6[%parallel_loop3A_474, %parallel_loop3A_475, %parallel_loop3A_476], %parallel_loop3A_479 {strides = array<i32>} : memref<4x200x64xf32, #tpu.memory_space<vmem>>, vector<1x1x16xf32>,
        %parallel_loop3A_480 = arith.constant 3 : i32
        %parallel_loop3A_481 = arith.index_cast %parallel_loop3A_480 : i32 to index
        %parallel_loop3A_482 = arith.index_cast %parallel_loop3A_431 : i32 to index
        %parallel_loop3A_483 = arith.constant 48 : index
        %parallel_loop3A_484 = tpu.vector_load %arg6[%parallel_loop3A_481, %parallel_loop3A_482, %parallel_loop3A_483] {strides = array<i32>} : memref<4x200x64xf32, #tpu.memory_space<vmem>>, vector<1x1x16xf32>,
        %parallel_loop3A_485 = vector.shape_cast %parallel_loop3A_484 : vector<1x1x16xf32> to vector<16xf32>
        %parallel_loop3A_486 = arith.constant 8.000000e+00 : f32
        %parallel_loop3A_487 = vector.broadcast %parallel_loop3A_486 : f32 to vector<16xf32>
        %parallel_loop3A_488 = arith.mulf %parallel_loop3A_485, %parallel_loop3A_487 : vector<16xf32>
        %parallel_loop3A_489 = arith.constant 3 : i32
        %parallel_loop3A_490 = arith.index_cast %parallel_loop3A_489 : i32 to index
        %parallel_loop3A_491 = arith.index_cast %parallel_loop3A_431 : i32 to index
        %parallel_loop3A_492 = arith.constant 48 : index
        %parallel_loop3A_493 = tpu.vector_load %arg6[%parallel_loop3A_490, %parallel_loop3A_491, %parallel_loop3A_492] {strides = array<i32>} : memref<4x200x64xf32, #tpu.memory_space<vmem>>, vector<1x1x16xf32>,
        %parallel_loop3A_494 = vector.shape_cast %parallel_loop3A_493 : vector<1x1x16xf32> to vector<16xf32>
        %parallel_loop3A_495 = vector.shape_cast %parallel_loop3A_488 : vector<16xf32> to vector<1x1x16xf32>
        tpu.vector_store %arg6[%parallel_loop3A_490, %parallel_loop3A_491, %parallel_loop3A_492], %parallel_loop3A_495 {strides = array<i32>} : memref<4x200x64xf32, #tpu.memory_space<vmem>>, vector<1x1x16xf32>,
      } {sc.loop_unroll_factor = 4 : i64, sc.parallel_access}
      %add3A_410 = arith.addi %mul3A_2, %add3A_369 : i32
      %dma_start3A_411 = arith.constant 3 : i32
      %dma_start3A_412 = arith.constant 3 : i32
      %dma_start3A_413 = arith.constant 0 : i32
      %dma_start3A_414 = arith.constant 0 : i32
      %dma_start3A_415 = tpu.memref_slice %arg6[%dma_start3A_411, %dma_start3A_413, %dma_start3A_414] : memref<4x200x64xf32, #tpu.memory_space<vmem>> -> memref<1x200x64xf32, #tpu.memory_space<vmem>>
      %dma_start3A_416 = tpu.memref_squeeze %dma_start3A_415 : memref<1x200x64xf32, #tpu.memory_space<vmem>> -> memref<200x64xf32, #tpu.memory_space<vmem>>
      %dma_start3A_417 = arith.constant 0 : i32
      %dma_start3A_418 = arith.constant 0 : i32
      %dma_start3A_419 = tpu.memref_slice %arg4[%add3A_410, %dma_start3A_417, %dma_start3A_418] : memref<4096x200x64xf32, #tpu.memory_space<hbm>> -> memref<1x200x64xf32, #tpu.memory_space<hbm>>
      %dma_start3A_420 = tpu.memref_squeeze %dma_start3A_419 : memref<1x200x64xf32, #tpu.memory_space<hbm>> -> memref<200x64xf32, #tpu.memory_space<hbm>>
      %dma_start3A_421 = tpu.memref_slice %arg8[%dma_start3A_412] : memref<4x!tpu.dma_semaphore, #tpu.memory_space<semaphore_mem>> -> memref<1x!tpu.dma_semaphore, #tpu.memory_space<semaphore_mem>>
      %dma_start3A_422 = tpu.memref_squeeze %dma_start3A_421 : memref<1x!tpu.dma_semaphore, #tpu.memory_space<semaphore_mem>> -> memref<!tpu.dma_semaphore, #tpu.memory_space<semaphore_mem>>
      %dma_start3A_423 = arith.constant 0 : i32
      %dma_start3A_424 = arith.constant 0 : i32
      %dma_start3A_425 = tpu.memref_slice %arg4[%add3A_410, %dma_start3A_423, %dma_start3A_424] : memref<4096x200x64xf32, #tpu.memory_space<hbm>> -> memref<1x200x64xf32, #tpu.memory_space<hbm>>
      %dma_start3A_426 = tpu.memref_squeeze %dma_start3A_425 : memref<1x200x64xf32, #tpu.memory_space<hbm>> -> memref<200x64xf32, #tpu.memory_space<hbm>>
      %dma_start3A_427 = arith.constant 0 : i32
      %dma_start3A_428 = arith.constant 0 : i32
      %dma_start3A_429 = tpu.memref_slice %arg6[%dma_start3A_411, %dma_start3A_427, %dma_start3A_428] : memref<4x200x64xf32, #tpu.memory_space<vmem>> -> memref<1x200x64xf32, #tpu.memory_space<vmem>>
      %dma_start3A_430 = tpu.memref_squeeze %dma_start3A_429 : memref<1x200x64xf32, #tpu.memory_space<vmem>> -> memref<200x64xf32, #tpu.memory_space<vmem>>
      tpu.enqueue_dma source(%dma_start3A_430 : memref<200x64xf32, #tpu.memory_space<vmem>>) target(%dma_start3A_426 : memref<200x64xf32, #tpu.memory_space<hbm>>) target_semaphore(%dma_start3A_422 : memref<!tpu.dma_semaphore, #tpu.memory_space<semaphore_mem>>)
    }
    %scan3A_95 = arith.constant 32 : i32
    %dma_wait3A = arith.constant 0 : i32
    %dma_wait3A_96 = arith.constant 0 : i32
    %dma_wait3A_97 = arith.constant 0 : i32
    %dma_wait3A_98 = arith.constant 0 : i32
    %dma_wait3A_99 = arith.constant 0 : i32
    %dma_wait3A_100 = tpu.memref_slice %arg6[%dma_wait3A, %dma_wait3A_98, %dma_wait3A_99] : memref<4x200x64xf32, #tpu.memory_space<vmem>> -> memref<1x200x64xf32, #tpu.memory_space<vmem>>
    %dma_wait3A_101 = tpu.memref_squeeze %dma_wait3A_100 : memref<1x200x64xf32, #tpu.memory_space<vmem>> -> memref<200x64xf32, #tpu.memory_space<vmem>>
    %dma_wait3A_102 = arith.constant 0 : i32
    %dma_wait3A_103 = arith.constant 0 : i32
    %dma_wait3A_104 = tpu.memref_slice %arg4[%dma_wait3A_96, %dma_wait3A_102, %dma_wait3A_103] : memref<4096x200x64xf32, #tpu.memory_space<hbm>> -> memref<1x200x64xf32, #tpu.memory_space<hbm>>
    %dma_wait3A_105 = tpu.memref_squeeze %dma_wait3A_104 : memref<1x200x64xf32, #tpu.memory_space<hbm>> -> memref<200x64xf32, #tpu.memory_space<hbm>>
    %dma_wait3A_106 = tpu.memref_slice %arg8[%dma_wait3A_97] : memref<4x!tpu.dma_semaphore, #tpu.memory_space<semaphore_mem>> -> memref<1x!tpu.dma_semaphore, #tpu.memory_space<semaphore_mem>>
    %dma_wait3A_107 = tpu.memref_squeeze %dma_wait3A_106 : memref<1x!tpu.dma_semaphore, #tpu.memory_space<semaphore_mem>> -> memref<!tpu.dma_semaphore, #tpu.memory_space<semaphore_mem>>
    %dma_wait3A_108 = arith.constant 0 : i32
    %dma_wait3A_109 = arith.constant 0 : i32
    %dma_wait3A_110 = tpu.memref_slice %arg4[%dma_wait3A_96, %dma_wait3A_108, %dma_wait3A_109] : memref<4096x200x64xf32, #tpu.memory_space<hbm>> -> memref<1x200x64xf32, #tpu.memory_space<hbm>>
    %dma_wait3A_111 = tpu.memref_squeeze %dma_wait3A_110 : memref<1x200x64xf32, #tpu.memory_space<hbm>> -> memref<200x64xf32, #tpu.memory_space<hbm>>
    %dma_wait3A_112 = arith.constant 0 : i32
    %dma_wait3A_113 = arith.constant 0 : i32
    %dma_wait3A_114 = tpu.memref_slice %arg6[%dma_wait3A, %dma_wait3A_112, %dma_wait3A_113] : memref<4x200x64xf32, #tpu.memory_space<vmem>> -> memref<1x200x64xf32, #tpu.memory_space<vmem>>
    %dma_wait3A_115 = tpu.memref_squeeze %dma_wait3A_114 : memref<1x200x64xf32, #tpu.memory_space<vmem>> -> memref<200x64xf32, #tpu.memory_space<vmem>>
    tpu.wait_dma2 semaphore(%dma_wait3A_107 : memref<!tpu.dma_semaphore, #tpu.memory_space<semaphore_mem>>) src(%dma_wait3A_115 : memref<200x64xf32, #tpu.memory_space<vmem>>) dst(%dma_wait3A_111 : memref<200x64xf32, #tpu.memory_space<hbm>>)
    %dma_wait3A_116 = arith.constant 1 : i32
    %dma_wait3A_117 = arith.constant 0 : i32
    %dma_wait3A_118 = arith.constant 1 : i32
    %dma_wait3A_119 = arith.constant 0 : i32
    %dma_wait3A_120 = arith.constant 0 : i32
    %dma_wait3A_121 = tpu.memref_slice %arg6[%dma_wait3A_116, %dma_wait3A_119, %dma_wait3A_120] : memref<4x200x64xf32, #tpu.memory_space<vmem>> -> memref<1x200x64xf32, #tpu.memory_space<vmem>>
    %dma_wait3A_122 = tpu.memref_squeeze %dma_wait3A_121 : memref<1x200x64xf32, #tpu.memory_space<vmem>> -> memref<200x64xf32, #tpu.memory_space<vmem>>
    %dma_wait3A_123 = arith.constant 0 : i32
    %dma_wait3A_124 = arith.constant 0 : i32
    %dma_wait3A_125 = tpu.memref_slice %arg4[%dma_wait3A_117, %dma_wait3A_123, %dma_wait3A_124] : memref<4096x200x64xf32, #tpu.memory_space<hbm>> -> memref<1x200x64xf32, #tpu.memory_space<hbm>>
    %dma_wait3A_126 = tpu.memref_squeeze %dma_wait3A_125 : memref<1x200x64xf32, #tpu.memory_space<hbm>> -> memref<200x64xf32, #tpu.memory_space<hbm>>
    %dma_wait3A_127 = tpu.memref_slice %arg8[%dma_wait3A_118] : memref<4x!tpu.dma_semaphore, #tpu.memory_space<semaphore_mem>> -> memref<1x!tpu.dma_semaphore, #tpu.memory_space<semaphore_mem>>
    %dma_wait3A_128 = tpu.memref_squeeze %dma_wait3A_127 : memref<1x!tpu.dma_semaphore, #tpu.memory_space<semaphore_mem>> -> memref<!tpu.dma_semaphore, #tpu.memory_space<semaphore_mem>>
    %dma_wait3A_129 = arith.constant 0 : i32
    %dma_wait3A_130 = arith.constant 0 : i32
    %dma_wait3A_131 = tpu.memref_slice %arg4[%dma_wait3A_117, %dma_wait3A_129, %dma_wait3A_130] : memref<4096x200x64xf32, #tpu.memory_space<hbm>> -> memref<1x200x64xf32, #tpu.memory_space<hbm>>
    %dma_wait3A_132 = tpu.memref_squeeze %dma_wait3A_131 : memref<1x200x64xf32, #tpu.memory_space<hbm>> -> memref<200x64xf32, #tpu.memory_space<hbm>>
    %dma_wait3A_133 = arith.constant 0 : i32
    %dma_wait3A_134 = arith.constant 0 : i32
    %dma_wait3A_135 = tpu.memref_slice %arg6[%dma_wait3A_116, %dma_wait3A_133, %dma_wait3A_134] : memref<4x200x64xf32, #tpu.memory_space<vmem>> -> memref<1x200x64xf32, #tpu.memory_space<vmem>>
    %dma_wait3A_136 = tpu.memref_squeeze %dma_wait3A_135 : memref<1x200x64xf32, #tpu.memory_space<vmem>> -> memref<200x64xf32, #tpu.memory_space<vmem>>
    tpu.wait_dma2 semaphore(%dma_wait3A_128 : memref<!tpu.dma_semaphore, #tpu.memory_space<semaphore_mem>>) src(%dma_wait3A_136 : memref<200x64xf32, #tpu.memory_space<vmem>>) dst(%dma_wait3A_132 : memref<200x64xf32, #tpu.memory_space<hbm>>)
    %dma_wait3A_137 = arith.constant 2 : i32
    %dma_wait3A_138 = arith.constant 0 : i32
    %dma_wait3A_139 = arith.constant 2 : i32
    %dma_wait3A_140 = arith.constant 0 : i32
    %dma_wait3A_141 = arith.constant 0 : i32
    %dma_wait3A_142 = tpu.memref_slice %arg6[%dma_wait3A_137, %dma_wait3A_140, %dma_wait3A_141] : memref<4x200x64xf32, #tpu.memory_space<vmem>> -> memref<1x200x64xf32, #tpu.memory_space<vmem>>
    %dma_wait3A_143 = tpu.memref_squeeze %dma_wait3A_142 : memref<1x200x64xf32, #tpu.memory_space<vmem>> -> memref<200x64xf32, #tpu.memory_space<vmem>>
    %dma_wait3A_144 = arith.constant 0 : i32
    %dma_wait3A_145 = arith.constant 0 : i32
    %dma_wait3A_146 = tpu.memref_slice %arg4[%dma_wait3A_138, %dma_wait3A_144, %dma_wait3A_145] : memref<4096x200x64xf32, #tpu.memory_space<hbm>> -> memref<1x200x64xf32, #tpu.memory_space<hbm>>
    %dma_wait3A_147 = tpu.memref_squeeze %dma_wait3A_146 : memref<1x200x64xf32, #tpu.memory_space<hbm>> -> memref<200x64xf32, #tpu.memory_space<hbm>>
    %dma_wait3A_148 = tpu.memref_slice %arg8[%dma_wait3A_139] : memref<4x!tpu.dma_semaphore, #tpu.memory_space<semaphore_mem>> -> memref<1x!tpu.dma_semaphore, #tpu.memory_space<semaphore_mem>>
    %dma_wait3A_149 = tpu.memref_squeeze %dma_wait3A_148 : memref<1x!tpu.dma_semaphore, #tpu.memory_space<semaphore_mem>> -> memref<!tpu.dma_semaphore, #tpu.memory_space<semaphore_mem>>
    %dma_wait3A_150 = arith.constant 0 : i32
    %dma_wait3A_151 = arith.constant 0 : i32
    %dma_wait3A_152 = tpu.memref_slice %arg4[%dma_wait3A_138, %dma_wait3A_150, %dma_wait3A_151] : memref<4096x200x64xf32, #tpu.memory_space<hbm>> -> memref<1x200x64xf32, #tpu.memory_space<hbm>>
    %dma_wait3A_153 = tpu.memref_squeeze %dma_wait3A_152 : memref<1x200x64xf32, #tpu.memory_space<hbm>> -> memref<200x64xf32, #tpu.memory_space<hbm>>
    %dma_wait3A_154 = arith.constant 0 : i32
    %dma_wait3A_155 = arith.constant 0 : i32
    %dma_wait3A_156 = tpu.memref_slice %arg6[%dma_wait3A_137, %dma_wait3A_154, %dma_wait3A_155] : memref<4x200x64xf32, #tpu.memory_space<vmem>> -> memref<1x200x64xf32, #tpu.memory_space<vmem>>
    %dma_wait3A_157 = tpu.memref_squeeze %dma_wait3A_156 : memref<1x200x64xf32, #tpu.memory_space<vmem>> -> memref<200x64xf32, #tpu.memory_space<vmem>>
    tpu.wait_dma2 semaphore(%dma_wait3A_149 : memref<!tpu.dma_semaphore, #tpu.memory_space<semaphore_mem>>) src(%dma_wait3A_157 : memref<200x64xf32, #tpu.memory_space<vmem>>) dst(%dma_wait3A_153 : memref<200x64xf32, #tpu.memory_space<hbm>>)
    %dma_wait3A_158 = arith.constant 3 : i32
    %dma_wait3A_159 = arith.constant 0 : i32
    %dma_wait3A_160 = arith.constant 3 : i32
    %dma_wait3A_161 = arith.constant 0 : i32
    %dma_wait3A_162 = arith.constant 0 : i32
    %dma_wait3A_163 = tpu.memref_slice %arg6[%dma_wait3A_158, %dma_wait3A_161, %dma_wait3A_162] : memref<4x200x64xf32, #tpu.memory_space<vmem>> -> memref<1x200x64xf32, #tpu.memory_space<vmem>>
    %dma_wait3A_164 = tpu.memref_squeeze %dma_wait3A_163 : memref<1x200x64xf32, #tpu.memory_space<vmem>> -> memref<200x64xf32, #tpu.memory_space<vmem>>
    %dma_wait3A_165 = arith.constant 0 : i32
    %dma_wait3A_166 = arith.constant 0 : i32
    %dma_wait3A_167 = tpu.memref_slice %arg4[%dma_wait3A_159, %dma_wait3A_165, %dma_wait3A_166] : memref<4096x200x64xf32, #tpu.memory_space<hbm>> -> memref<1x200x64xf32, #tpu.memory_space<hbm>>
    %dma_wait3A_168 = tpu.memref_squeeze %dma_wait3A_167 : memref<1x200x64xf32, #tpu.memory_space<hbm>> -> memref<200x64xf32, #tpu.memory_space<hbm>>
    %dma_wait3A_169 = tpu.memref_slice %arg8[%dma_wait3A_160] : memref<4x!tpu.dma_semaphore, #tpu.memory_space<semaphore_mem>> -> memref<1x!tpu.dma_semaphore, #tpu.memory_space<semaphore_mem>>
    %dma_wait3A_170 = tpu.memref_squeeze %dma_wait3A_169 : memref<1x!tpu.dma_semaphore, #tpu.memory_space<semaphore_mem>> -> memref<!tpu.dma_semaphore, #tpu.memory_space<semaphore_mem>>
    %dma_wait3A_171 = arith.constant 0 : i32
    %dma_wait3A_172 = arith.constant 0 : i32
    %dma_wait3A_173 = tpu.memref_slice %arg4[%dma_wait3A_159, %dma_wait3A_171, %dma_wait3A_172] : memref<4096x200x64xf32, #tpu.memory_space<hbm>> -> memref<1x200x64xf32, #tpu.memory_space<hbm>>
    %dma_wait3A_174 = tpu.memref_squeeze %dma_wait3A_173 : memref<1x200x64xf32, #tpu.memory_space<hbm>> -> memref<200x64xf32, #tpu.memory_space<hbm>>
    %dma_wait3A_175 = arith.constant 0 : i32
    %dma_wait3A_176 = arith.constant 0 : i32
    %dma_wait3A_177 = tpu.memref_slice %arg6[%dma_wait3A_158, %dma_wait3A_175, %dma_wait3A_176] : memref<4x200x64xf32, #tpu.memory_space<vmem>> -> memref<1x200x64xf32, #tpu.memory_space<vmem>>
    %dma_wait3A_178 = tpu.memref_squeeze %dma_wait3A_177 : memref<1x200x64xf32, #tpu.memory_space<vmem>> -> memref<200x64xf32, #tpu.memory_space<vmem>>
    tpu.wait_dma2 semaphore(%dma_wait3A_170 : memref<!tpu.dma_semaphore, #tpu.memory_space<semaphore_mem>>) src(%dma_wait3A_178 : memref<200x64xf32, #tpu.memory_space<vmem>>) dst(%dma_wait3A_174 : memref<200x64xf32, #tpu.memory_space<hbm>>)
    return
  }
}

</mosaic_0001>

<sc_bundles>
// kernel: kernel.3.cloned.1.call-start
scs
__scs_entry_jumppad:
0x0: {  	(pc) =	sbr.rel $0x88, $3  }
0x1: {  	(tag) =	ssettag $0x0;
	lr =	simm.s32 $0x1  }
0x2: {  	[smem:$0x3F9F] =	sst lr;
	_ =	strace $0xD0000000  }
0x3: {  	_ = 	snop  }
0x4: {  	_ = 	snop  }
0x5: {  	_ = 	snop  }
0x6: {  	_ = 	snop  }
0x7: {  	_ = 	snop  }
__scs_overlays_trampoline_lowered:
0x8: {  	[smem:$0x3FAE] =	sst s0  }
0x9: {  	[smem:$0x3FAF] =	sst s1  }
0xa: {  	[smem:$0x3FB0] =	sst s2  }
0xb: {  	[smem:$0x3FB1] =	sst s3  }
0xc: {  	[smem:$0x3FB2] =	sst s4  }
0xd: {  	[smem:$0x3FB3] =	sst s5  }
0xe: {  	[smem:$0x3FB4] =	sst s6  }
0xf: {  	[smem:$0x3FB5] =	sst s7  }
0x10: {  	[smem:$0x3FB6] =	sst s8  }
0x11: {  	[smem:$0x3FB7] =	sst s9;
	s0 =	simm.s32 @!p0 $0x0  }
0x12: {  	s1 =	sld [smem:$0x3F9D];
	s0 =	simm.s32 @p0 $0x1  }
0x13: {  	[smem:$0x3FB8] =	sst s0;
	s0 =	simm.s32 @!p1 $0x0  }
0x14: {  	s2 =	sld [smem:$0x3F9C];
	s0 =	simm.s32 @p1 $0x1  }
0x15: {  	[smem:$0x3FB9] =	sst s0;
	s0 =	simm.s32 @!p2 $0x0  }
0x16: {  	s3 =	sld [smem:$0x3FDB];
	s0 =	simm.s32 @p2 $0x1  }
0x17: {  	s4 =	simm.s32 $0x1BF5;
	[smem:$0x3FBB] =	sst s0  }
0x18: {  	s0 =	sld [smem:$0x3F9E];
	_ =	swait.ge [sflag:s4], $0x0  }
0x19: {  	s7 =	sld [smem:$0x3F9F]  }
0x1a: {  	s8 =	sadd.s32 $0xFFFFE003, lr  }
0x1b: {  	s9 =	sadd.s32 $0xFFFFFEF7, lr;
	s5 =	simm.s32 $0xFFFFFFFF;
	p2 =	slt.u32 s8, $0xFFFFF086  }
0x1c: {  	p1 =	slt.u32 s9, $0xF7A;
	s5 =	simm.s32 @!p2 $0x0  }
0x1d: {  	s5 =	simm.s32 @p1 $0x1;
	p0 =	seq.s32 s7, s2  }
0x1e: {  	s7 =	smul.u32 @!p0 $0xF7A, s2;
	p2 =	seq.s32 @!p0 s5, $0x0  }
0x1f: {  	s9 =	smul.u32 $0xF7A, s1;
	s8 =	simm.s32 @!p0 $0x1BF5;
	p2 =	por !p2, p0  }
0x20: {  	[sflag:s8] =	ssyncset.s32 @!p0 $0xFFFFF086;
	s6 =	sadd.s32 @!p0 s3, s7;
	s7 =	simm.s32 @!p0 $0x108  }
0x21: {  	s3 =	sadd.s32 s3, s9;
	s6 =	sadd.s32 @!p0 $0x88, s6;
	s7 =	simm.s32 @p2 $0x1082  }
0x22: {  	[simem:s7], [sflag:s8] =	dma.local @!p0 [hbm:s6], $0xF7A  }
0x23: {  	s9 =	sor.u32 $0xD0000000, s2;
	s6 =	simm.s32 $0x108;
	_ =	swait.ge @!p0 [sflag:s8], $0x0  }
0x24: {  	s3 =	sadd.s32 $0x88, s3;
	s6 =	simm.s32 @!p1 $0x1082;
	[sflag:s4] =	ssyncset.s32 $0xFFFFF086  }
0x25: {  	[simem:s6], [sflag:s4] =	dma.local [hbm:s3], $0xF7A  }
0x26: {  	[smem:$0x3F9F] =	sst s1;
	(tag) =	ssettag s2;
	_ =	strace s9  }
0x27: {  	s1 =	sld [smem:$0x3FAF]  }
0x28: {  	s2 =	sld [smem:$0x3FB0]  }
0x29: {  	s4 =	sld [smem:$0x3FB2]  }
0x2a: {  	p0 =	seq.s32 s5, $0x0;
	s5 =	sld [smem:$0x3FB3]  }
0x2b: {  	s6 =	sld [smem:$0x3FB4]  }
0x2c: {  	s7 =	sld [smem:$0x3FB5]  }
0x2d: {  	s3 =	simm.s32 $0x108;
	s8 =	sld [smem:$0x3FB6]  }
0x2e: {  	s3 =	simm.s32 @!p0 $0x1082;
	s9 =	sld [smem:$0x3FB7]  }
0x2f: {  	lr =	sadd.s32 s0, s3;
	s0 =	sld [smem:$0x3FAE]  }
0x30: {  	s3 =	sld [smem:$0x3FB1]  }
0x31: {  	[smem:$0x3FBA] =	sst s10  }
0x32: {  	s10 =	sld [smem:$0x3FB8];
	_ =	sdelay $0x3  }
0x33: {  	p0 =	seq.s32 s10, $0x1;
	s10 =	sld [smem:$0x3FBA];
	_ =	sdelay $0x3  }
0x34: {  	[smem:$0x3FBA] =	sst s10  }
0x35: {  	s10 =	sld [smem:$0x3FB9];
	_ =	sdelay $0x3  }
0x36: {  	p1 =	seq.s32 s10, $0x1;
	s10 =	sld [smem:$0x3FBA];
	_ =	sdelay $0x3  }
0x37: {  	[smem:$0x3FBA] =	sst s10  }
0x38: {  	s10 =	sld [smem:$0x3FBB]  }
0x39: {  	_ = 	snop;
	(pc) =	sbr.ind lr, $3  }
0x3a: {  	_ = 	snop  }
0x3b: {  	_ = 	snop  }
0x3c: {  	p2 =	seq.s32 s10, $0x1;
	s10 =	sld [smem:$0x3FBA]  }
0x3d: {  	_ =	shalt  }
0x3e: {  	_ =	shalt  }
0x3f: {  	_ =	shalt  }
0x40: {  	_ =	shalt  }
0x41: {  	_ =	shalt  }
0x42: {  	_ =	shalt  }
0x43: {  	_ =	shalt  }
0x44: {  	_ =	shalt  }
0x45: {  	_ =	shalt  }
0x46: {  	_ =	shalt  }
0x47: {  	_ =	shalt  }
0x48: {  	_ =	shalt  }
0x49: {  	_ =	shalt  }
0x4a: {  	_ =	shalt  }
0x4b: {  	_ =	shalt  }
0x4c: {  	_ =	shalt  }
0x4d: {  	_ =	shalt  }
0x4e: {  	_ =	shalt  }
0x4f: {  	_ =	shalt  }
0x50: {  	_ =	shalt  }
0x51: {  	_ =	shalt  }
0x52: {  	_ =	shalt  }
0x53: {  	_ =	shalt  }
0x54: {  	_ =	shalt  }
0x55: {  	_ =	shalt  }
0x56: {  	_ =	shalt  }
0x57: {  	_ =	shalt  }
0x58: {  	_ =	shalt  }
0x59: {  	_ =	shalt  }
0x5a: {  	_ =	shalt  }
0x5b: {  	_ =	shalt  }
0x5c: {  	_ =	shalt  }
0x5d: {  	_ =	shalt  }
0x5e: {  	_ =	shalt  }
0x5f: {  	_ =	shalt  }
0x60: {  	_ =	shalt  }
0x61: {  	_ =	shalt  }
0x62: {  	_ =	shalt  }
0x63: {  	_ =	shalt  }
0x64: {  	_ =	shalt  }
0x65: {  	_ =	shalt  }
0x66: {  	_ =	shalt  }
0x67: {  	_ =	shalt  }
0x68: {  	_ =	shalt  }
0x69: {  	_ =	shalt  }
0x6a: {  	_ =	shalt  }
0x6b: {  	_ =	shalt  }
0x6c: {  	_ =	shalt  }
0x6d: {  	_ =	shalt  }
0x6e: {  	_ =	shalt  }
0x6f: {  	_ =	shalt  }
0x70: {  	_ =	shalt  }
0x71: {  	_ =	shalt  }
0x72: {  	_ =	shalt  }
0x73: {  	_ =	shalt  }
0x74: {  	_ =	shalt  }
0x75: {  	_ =	shalt  }
0x76: {  	_ =	shalt  }
0x77: {  	_ =	shalt  }
0x78: {  	_ =	shalt  }
0x79: {  	_ =	shalt  }
0x7a: {  	_ =	shalt  }
0x7b: {  	_ =	shalt  }
0x7c: {  	_ =	shalt  }
0x7d: {  	_ =	shalt  }
0x7e: {  	_ =	shalt  }
0x7f: {  	_ =	shalt  }
0x80: {  	_ =	shalt  }
0x81: {  	_ =	shalt  }
0x82: {  	_ =	shalt  }
0x83: {  	_ =	shalt  }
0x84: {  	_ =	shalt  }
0x85: {  	_ =	shalt  }
0x86: {  	_ =	shalt  }
0x87: {  	_ =	shalt  }
.Lfunc_end0:
.L_simem_size_0:
called_computation.1_lowered:
.L_overlay_start_0:
0x88: {  	s2 =	sld [smem:$0x3FD9]  }
0x89: {  	s3 =	sld [smem:$0x3FFE];
	_ =	sdelay $0x1  }
0x8a: {  	s1 =	srdreg.scid  }
0x8b: {  	s0 =	sand.u32 $0x1, s1  }
0x8c: {  	s17 =	sshll.u32 s0, $0xA;
	s2 =	sadd.s32 s3, s2  }
0x8d: {  	s2 =	sadd.s32 s2, s17  }
0x8e: {  	[smem:$0x3FC6] =	sst s2  }
0x8f: {  	_ = 	snop  }
0x90: {  	s2 =	sld [smem:$0x3FD0];
	(tm) =	ssettm $0x1  }
0x91: {  	s18 =	sld [smem:$0x3FFB];
	_ =	sdelay $0x3  }
0x92: {  	_ =	strace s18  }
0x93: {  	s3 =	sld [smem:$0x3FFC];
	_ =	sdelay $0x3  }
0x94: {  	_ =	strace s3  }
0x95: {  	s3 =	sld [smem:$0x3FFD];
	_ =	sdelay $0x3  }
0x96: {  	_ =	strace s3  }
0x97: {  	_ =	strace $0x8FFFFFFF  }
0x98: {  	s19 =	sld [smem:$0x3FDB];
	_ =	sdelay $0x1  }
0x99: {  	s4 =	simm.s32 $_scs_section_size  }
0x9a: {  	s5 =	simm.s32 $_size__tile_overlayer_lowered;
	s6 =	simm.s32 $_tile_overlayer_lowered  }
0x9b: {  	s22 =	simm.s32 $0x1BFF;
	s21 =	sshll.u32 s6, $0x1;
	s3 =	sadd.s32 s4, s19  }
0x9c: {  	s7 =	simm.s32 $0x0;
	s20 =	sshll.u32 s5, $0x1;
	s5 =	sadd.s32 s21, s3  }
0x9d: {  	[timem:s7], [sflag:s22] =	dma.local [hbm:s5], s20  }
0x9e: {  	_ =	swait.ge [sflag:s22], s20  }
0x9f: {  	s4 =	ssub.s32 $0x0, s20;
	[sflag:s22] =	ssyncset.done $0x0  }
0xa0: {  	[sflag:s22] =	ssyncadd.s32 s4;
	_ =	sdelay $0x1  }
0xa1: {  	s23 =	simm.s32 $0x1B8B  }
0xa2: {  	_ =	swait.ge [sflag:s23], $0x1  }
0xa3: {  	[sflag:s23] =	ssyncset.done $0x0  }
0xa4: {  	s25 =	simm.s32 $0x1B8E;
	s24 =	sld [smem:$0x3FFE];
	[sflag:s23] =	ssyncadd.s32 $0xFFFFFFFF  }
0xa5: {  	s26 =	simm.s32 $execute0_lowered;
	[smem:$0x3FD2] =	sst s25  }
0xa6: {  	s5 =	sshll.u32 s26, $0x1;
	_ =	strace $0x80000046;
	[dreg:$0x1] =	wrdreg $0xFFFFFFFF  }
0xa7: {  	s28 =	simm.s32 $_size_execute0_lowered;
	s3 =	sadd.s32 s3, s5;
	[dreg:$0x0] =	wrdreg $0x0  }
0xa8: {  	s5 =	sshll.u32 s28, $0x1;
	[dreg:$0x2] =	wrdreg s3  }
0xa9: {  	[dreg:$0x3] =	wrdreg s5  }
0xaa: {  	[dreg:$0x4] =	wrdreg $0xC0  }
0xab: {  	_ =	task [dreg:s7], $0x5FFFF  }
0xac: {  	[dreg:$0x1] =	wrdreg $0xFFFFFFFF  }
0xad: {  	[dreg:$0x0] =	wrdreg $0x60  }
0xae: {  	[dreg:$0x2] =	wrdreg s24  }
0xaf: {  	[dreg:$0x3] =	wrdreg s2  }
0xb0: {  	[dreg:$0x4] =	wrdreg $0x9  }
0xb1: {  	_ =	task.clear_ibuf [dreg:s7], $0x5FFFF;
	_ =	strace $0x90000046  }
0xb2: {  	s29 =	simm.s32 $0x9;
	_ =	strace $0x80000048  }
0xb3: {  	_ =	swait.ge [sflag:s29], $0x1  }
0xb4: {  	[sflag:s29] =	ssyncadd.s32 $0xFFFFFFFF  }
0xb5: {  	_ =	strace $0x90000048  }
0xb6: {  	_ =	sfence  }
0xb7: {  	s30 =	sld [smem:$0x0];
	_ =	sdelay $0x2  }
0xb8: {  	s31 =	sshll.u32 s1, $0xD;
	s1 =	sshrl.u32 s1, $0x2  }
0xb9: {  	s3 =	sand.u32 $0x4000, s31;
	s1 =	sadd.s32 s1, s30  }
0xba: {  	s0 =	sor.u32 s3, s0;
	s1 =	sshll.u32 s1, $0x11  }
0xbb: {  	s0 =	sor.u32 s1, s0  }
0xbc: {  	s0 =	sadd.s32 $0x8F2B, s0  }
0xbd: {  	[sflag:s0] =	ssyncadd.remote.s32 $0x1  }
0xbe: {  	_ =	sfence.sel $0xFFFF  }
0xbf: {  	[dreg:$0x0] =	wrdreg $0xFFFFFFFF;
	(pc) =	sbr.abs _section_cstart, $3  }
0xc0: {  	[dreg:$0x1] =	wrdreg $0xFFFFFFFF  }
0xc1: {  	_ =	task.clear_ibuf [dreg:s7], $0x2FFFF;
	_ =	strace $0x9FFFFFFF  }
0xc2: {  	(tm) =	ssettm $0x7FFFFFFF  }
0xc3: {  	_ =	shalt  }
tec
execute0_lowered:
.L_overlay_start_1:
0x0: {  	(tag) =	ssettag $0x1  }
0x1: {  	s0 =	srdreg.scid  }
0x2: {  	s1 =	rddreg [dreg:$0x0];
	s3 =	stileid.u32  }
0x3: {  	s2 =	rddreg [dreg:$0x1];
	s8 =	simm.s32 $0x9;
	s9 =	simm.s32 $0x68  }
0x4: {  	s10 =	simm.s32 $0x6400;
	s11 =	simm.s32 $0x60;
	s14 =	simm.s32 $0x9600  }
0x5: {  	s18 =	simm.s32 $0xC800;
	s21 =	simm.s32 $0xFA00;
	s22 =	simm.s32 $0x11400  }
0x6: {  	s23 =	simm.s32 $0x1;
	s24 =	simm.s32 $0x2;
	s25 =	simm.s32 $0x3  }
0x7: {  	s26 =	simm.s32 $0x4;
	s28 =	simm.s32 $0x5;
	s0 =	sand.u32 $0x1, s0  }
0x8: {  	s29 =	simm.s32 $0x6;
	s3 =	sshll.u32 s3, $0x8;
	s4 =	sshll.u32 s0, $0x7  }
0x9: {  	s30 =	simm.s32 $0x7;
	s0 =	ssub.s32 $0x2, s0;
	s3 =	sor.u32 s4, s3  }
0xa: {  	s4 =	simm.s32 $0x0;
	s6 =	sshrl.u32 s0, $0x1;
	s5 =	smul.u32 $0x19, s3  }
0xb: {  	s31 =	simm.s32 $0x8;
	[smem:$0x7FF] =	sst s4;
	s0 =	ssub.s32 s0, s6  }
0xc: {  	_ =	strace $0x80000047;
	s7 =	sadd.s32 s5, s1;
	s5 =	sadd.s32 $0xF42E00, s1  }
0xd: {  	s1 =	simm.s32 $0x0;
	s6 =	sadd.s32 $0xA00, s7;
	s7 =	smax.u32 s0, $0x1  }
.LBB2_1:
0xe: {  	[tilespmem:s4], [sflag:$0x9] =	stream.linear.gather [hbm4b:s6+s4], $0x6400, $0x38;
	[tilespmem:$0x12C00] =	vst v63  }
0xf: {  	_ =	swait.ge [sflag:s8], $0x6400  }
0x10: {  	[sflag:s8] =	ssyncset.done $0x0  }
0x11: {  	[sflag:s8] =	ssyncadd.s32 $0xFFFF9C00  }
0x12: {  	[tilespmem:s10], [sflag:$0x1] =	stream.indirect.gather [hbm4b:s5+s9], $0x40, s4, s9, $0xb8;
	[tilespmem:$0x12C00] =	vst v63  }
0x13: {  	s0 =	simm.s32 $0x7E00  }
0x14: {  	[tilespmem:s0], [sflag:$0x1] =	stream.indirect.gather [hbm4b:s5+s11], $0x40, s9, s11, $0xb8;
	[tilespmem:$0x12C00] =	vst v63  }
0x15: {  	s15 =	simm.s32 $0xC8  }
0x16: {  	[tilespmem:s14], [sflag:$0x2] =	stream.indirect.gather [hbm4b:s5+s9], $0x40, s15, s9, $0xb8;
	[tilespmem:$0x12C00] =	vst v63  }
0x17: {  	s16 =	simm.s32 $0x130;
	s12 =	simm.s32 $0xB000  }
0x18: {  	[tilespmem:s12], [sflag:$0x2] =	stream.indirect.gather [hbm4b:s5+s11], $0x40, s16, s11, $0xb8;
	[tilespmem:$0x12C00] =	vst v63  }
0x19: {  	s17 =	simm.s32 $0x190  }
0x1a: {  	[tilespmem:s18], [sflag:$0x3] =	stream.indirect.gather [hbm4b:s5+s9], $0x40, s17, s9, $0xb8;
	[tilespmem:$0x12C00] =	vst v63  }
0x1b: {  	s19 =	simm.s32 $0x1F8;
	s20 =	simm.s32 $0xE200;
	s0 =	simm.s32 $0x0  }
0x1c: {  	[tilespmem:s20], [sflag:$0x3] =	stream.indirect.gather [hbm4b:s5+s11], $0x40, s19, s11, $0xb8;
	[tilespmem:$0x12C00] =	vst v63  }
.LBB2_2:
0x1d: {  	p0 =	seq.s32 s0, $0x0  }
0x1e: {  	s12 =	sshllo.u32 s0, $0x2;
	s13 =	simm.s32 @!p0 $0x8  }
0x1f: {  	s15 =	smul.u32 $0x320, s12;
	_ =	swait.ge @!p0 [sflag:s13], $0x3200  }
0x20: {  	[sflag:s13] =	ssyncset.done @!p0 $0x0  }
0x21: {  	s20 =	sshra.s32 s15, $0x2;
	[sflag:s13] =	ssyncadd.s32 @!p0 $0xFFFFCE00  }
0x22: {  	[tilespmem:s21], [sflag:$0x4] =	stream.indirect.gather [hbm4b:s5+s9], $0x40, s20, s9, $0xb8;
	[tilespmem:$0x12C00] =	vst v63  }
0x23: {  	s13 =	sadd.s32 $0x68, s20  }
0x24: {  	[tilespmem:s22], [sflag:$0x4] =	stream.indirect.gather [hbm4b:s5+s11], $0x40, s13, s11, $0xb8;
	[tilespmem:$0x12C00] =	vst v63  }
0x25: {  	_ =	swait.ge [sflag:s23], $0x1A00  }
0x26: {  	[sflag:s23] =	ssyncset.done $0x0  }
0x27: {  	[sflag:s23] =	ssyncadd.s32 $0xFFFFE600  }
0x28: {  	_ =	swait.ge [sflag:s23], $0x1800  }
0x29: {  	[sflag:s23] =	ssyncset.done $0x0  }
0x2a: {  	s13 =	simm.s32 $0x6480;
	[sflag:s23] =	ssyncadd.s32 $0xFFFFE800  }
0x2b: {  	v0 =	vld [tilespmem:s13+$0x70]  }
0x2c: {  	v1 =	vld [tilespmem:s13+$0xFFFFFF90]  }
0x2d: {  	v2 =	vld [tilespmem:s13+$0xFFFFFFA0]  }
0x2e: {  	v3 =	vld [tilespmem:s13+$0xFFFFFFB0]  }
0x2f: {  	v4 =	vld [tilespmem:s13+$0xFFFFFFC0]  }
0x30: {  	v5 =	vld [tilespmem:s13+$0xFFFFFFD0];
	v0 =	vmul.f32 $8.000000000e+00, v0  }
0x31: {  	v6 =	vld [tilespmem:s13+$0xFFFFFFE0];
	v1 =	vmul.f32 $8.000000000e+00, v1  }
0x32: {  	v7 =	vld [tilespmem:s13+$0xFFFFFFF0];
	v2 =	vmul.f32 $8.000000000e+00, v2;
	[tilespmem:s13+$0x70] =	vst v0  }
0x33: {  	[tilespmem:s13+$0xFFFFFF90] =	vst v1;
	v0 =	vmul.f32 $8.000000000e+00, v3;
	v3 =	vld [tilespmem:s13+$0x0]  }
0x34: {  	[tilespmem:s13+$0xFFFFFFA0] =	vst v2;
	v1 =	vmul.f32 $8.000000000e+00, v4;
	v4 =	vld [tilespmem:s13+$0x10]  }
0x35: {  	v8 =	vld [tilespmem:s13+$0x20];
	v2 =	vmul.f32 $8.000000000e+00, v5;
	[tilespmem:s13+$0xFFFFFFB0] =	vst v0  }
0x36: {  	v5 =	vmul.f32 $8.000000000e+00, v6;
	[tilespmem:s13+$0xFFFFFFC0] =	vst v1;
	v0 =	vld [tilespmem:s13+$0x30]  }
0x37: {  	v6 =	vmul.f32 $8.000000000e+00, v7;
	[tilespmem:s13+$0xFFFFFFD0] =	vst v2;
	v1 =	vld [tilespmem:s13+$0x40]  }
0x38: {  	[tilespmem:s13+$0xFFFFFFE0] =	vst v5;
	v2 =	vld [tilespmem:s13+$0x50];
	v7 =	vmul.f32 $8.000000000e+00, v3  }
0x39: {  	[tilespmem:s13+$0xFFFFFFF0] =	vst v6;
	v3 =	vld [tilespmem:s13+$0x60];
	v5 =	vmul.f32 $8.000000000e+00, v4  }
0x3a: {  	s16 =	simm.s32 $0x0;
	s17 =	simm.s32 $0x6580;
	s15 =	sshll.u32 s0, $0x2;
	v6 =	vmul.f32 $8.000000000e+00, v8;
	v4 =	vld [tilespmem:s13+$0xFFFFFF80];
	[tilespmem:s13+$0x0] =	vst v7  }
.LBB2_3:
0x3b: {  	v7 =	vld [tilespmem:s17+$0x70];
	s16 =	sadd.s32 $0x4, s16;
	[tilespmem:s13+$0x10] =	vst v5;
	v0 =	vmul.f32 $8.000000000e+00, v0  }
0x3c: {  	v5 =	vld [tilespmem:s17+$0xFFFFFF90];
	p0 =	slt.u32 s16, $0xC4;
	[tilespmem:s13+$0x20] =	vst v6;
	v1 =	vmul.f32 $8.000000000e+00, v1  }
0x3d: {  	v6 =	vld [tilespmem:s17+$0xFFFFFFA0];
	[tilespmem:s13+$0x30] =	vst v0;
	v0 =	vmul.f32 $8.000000000e+00, v2  }
0x3e: {  	v2 =	vld [tilespmem:s17+$0xFFFFFFB0];
	[tilespmem:s13+$0x40] =	vst v1;
	v1 =	vmul.f32 $8.000000000e+00, v3  }
0x3f: {  	v3 =	vld [tilespmem:s17+$0xFFFFFFC0];
	v4 =	vmul.f32 $8.000000000e+00, v4;
	[tilespmem:s13+$0x50] =	vst v0  }
0x40: {  	v0 =	vld [tilespmem:s17+$0xFFFFFFD0];
	v7 =	vmul.f32 $8.000000000e+00, v7;
	[tilespmem:s13+$0x60] =	vst v1  }
0x41: {  	v1 =	vmul.f32 $8.000000000e+00, v5;
	v5 =	vld [tilespmem:s17+$0xFFFFFFE0];
	[tilespmem:s13+$0xFFFFFF80] =	vst v4;
	s13 =	smov.u32 s17  }
0x42: {  	v4 =	vmul.f32 $8.000000000e+00, v6;
	v6 =	vld [tilespmem:s17+$0xFFFFFFF0];
	[tilespmem:s17+$0x70] =	vst v7  }
0x43: {  	[tilespmem:s17+$0xFFFFFF90] =	vst v1;
	v1 =	vmul.f32 $8.000000000e+00, v2;
	v2 =	vld [tilespmem:s17+$0x0]  }
0x44: {  	[tilespmem:s17+$0xFFFFFFA0] =	vst v4;
	v3 =	vmul.f32 $8.000000000e+00, v3;
	v4 =	vld [tilespmem:s17+$0x10]  }
0x45: {  	[tilespmem:s17+$0xFFFFFFB0] =	vst v1;
	v1 =	vmul.f32 $8.000000000e+00, v0;
	v7 =	vld [tilespmem:s17+$0x20]  }
.Ltmp0:
0x46: {  	[tilespmem:s17+$0xFFFFFFC0] =	vst v3;
	v3 =	vmul.f32 $8.000000000e+00, v5;
	v0 =	vld [tilespmem:s17+$0x30];
	(pc) =	sbr.rel @p0 .LBB2_3-.Ltmp0, $4  }
0x47: {  	[tilespmem:s17+$0xFFFFFFD0] =	vst v1;
	v5 =	vmul.f32 $8.000000000e+00, v6;
	v1 =	vld [tilespmem:s17+$0x40]  }
0x48: {  	[tilespmem:s17+$0xFFFFFFE0] =	vst v3;
	v6 =	vmul.f32 $8.000000000e+00, v2;
	v2 =	vld [tilespmem:s17+$0x50]  }
0x49: {  	[tilespmem:s17+$0xFFFFFFF0] =	vst v5;
	v5 =	vmul.f32 $8.000000000e+00, v4;
	v3 =	vld [tilespmem:s17+$0x60]  }
0x4a: {  	s17 =	sadd.s32 $0x100, s17;
	v4 =	vld [tilespmem:s13+$0xFFFFFF80];
	[tilespmem:s13+$0x0] =	vst v6;
	v6 =	vmul.f32 $8.000000000e+00, v7  }
0x4b: {  	[tilespmem:s13+$0x10] =	vst v5;
	v0 =	vmul.f32 $8.000000000e+00, v0  }
0x4c: {  	[tilespmem:s13+$0x20] =	vst v6;
	v1 =	vmul.f32 $8.000000000e+00, v1  }
0x4d: {  	[tilespmem:s13+$0x30] =	vst v0;
	v0 =	vmul.f32 $8.000000000e+00, v2  }
0x4e: {  	s16 =	sadd.s32 s3, s15;
	[tilespmem:s13+$0x40] =	vst v1;
	v1 =	vmul.f32 $8.000000000e+00, v3  }
0x4f: {  	s16 =	smul.u32 $0x640, s16;
	v2 =	vmul.f32 $8.000000000e+00, v4;
	[tilespmem:s13+$0x50] =	vst v0  }
0x50: {  	p0 =	seq.s32 s0, $0x1F;
	[tilespmem:s13+$0x60] =	vst v1  }
0x51: {  	s20 =	sadd.s32 s2, s16;
	[tilespmem:s13+$0xFFFFFF80] =	vst v2;
	s13 =	simm.s32 @!p0 $0x5  }
0x52: {  	[hbm4b:s20+s4] =	stream.linear.scatter [tilespmem:s10], [sflag:$0x5], $0x3200, $0x38;
	[tilespmem:$0x12C00] =	vst v63  }
0x53: {  	s16 =	smul.u32 @!p0 $0xC80, s0;
	_ =	swait.ge @!p0 [sflag:s13], $0x3200  }
0x54: {  	[sflag:s13] =	ssyncset.done @!p0 $0x0  }
0x55: {  	[sflag:s13] =	ssyncadd.s32 @!p0 $0xFFFFCE00;
	s13 =	sshra.s32 @!p0 s16, $0x2  }
0x56: {  	s17 =	simm.s32 @!p0 $0x68;
	s19 =	simm.s32 @!p0 $0x6400;
	s16 =	sadd.s32 @!p0 $0x320, s13  }
0x57: {  	[tilespmem:s19], [sflag:$0x1] =	stream.indirect.gather @!p0 [hbm4b:s5+s17], $0x40, s16, s17, $0xb8;
	[tilespmem:$0x12C00] =	vst v63  }
0x58: {  	s16 =	sadd.s32 @!p0 $0x388, s13;
	s17 =	simm.s32 @!p0 $0x60;
	s19 =	simm.s32 @!p0 $0x7E00  }
0x59: {  	[tilespmem:s19], [sflag:$0x1] =	stream.indirect.gather @!p0 [hbm4b:s5+s17], $0x40, s16, s17, $0xb8;
	[tilespmem:$0x12C00] =	vst v63  }
0x5a: {  	_ =	swait.ge [sflag:s24], $0x1A00  }
0x5b: {  	[sflag:s24] =	ssyncset.done $0x0  }
0x5c: {  	[sflag:s24] =	ssyncadd.s32 $0xFFFFE600  }
0x5d: {  	_ =	swait.ge [sflag:s24], $0x1800  }
0x5e: {  	[sflag:s24] =	ssyncset.done $0x0  }
0x5f: {  	s16 =	simm.s32 $0x96F0;
	[sflag:s24] =	ssyncadd.s32 $0xFFFFE800  }
0x60: {  	v0 =	vld [tilespmem:s16+$0x0]  }
0x61: {  	v1 =	vld [tilespmem:s16+$0xFFFFFF20]  }
0x62: {  	v2 =	vld [tilespmem:s16+$0xFFFFFF30]  }
0x63: {  	v3 =	vld [tilespmem:s16+$0xFFFFFF40]  }
0x64: {  	v4 =	vld [tilespmem:s16+$0xFFFFFF50]  }
0x65: {  	v5 =	vld [tilespmem:s16+$0xFFFFFF60];
	v0 =	vmul.f32 $8.000000000e+00, v0  }
0x66: {  	v6 =	vld [tilespmem:s16+$0xFFFFFF70];
	v1 =	vmul.f32 $8.000000000e+00, v1  }
0x67: {  	v7 =	vld [tilespmem:s16+$0xFFFFFF80];
	v2 =	vmul.f32 $8.000000000e+00, v2;
	[tilespmem:s16+$0x0] =	vst v0  }
0x68: {  	[tilespmem:s16+$0xFFFFFF20] =	vst v1;
	v0 =	vmul.f32 $8.000000000e+00, v3;
	v3 =	vld [tilespmem:s16+$0xFFFFFF90]  }
0x69: {  	[tilespmem:s16+$0xFFFFFF30] =	vst v2;
	v1 =	vmul.f32 $8.000000000e+00, v4;
	v4 =	vld [tilespmem:s16+$0xFFFFFFA0]  }
0x6a: {  	v8 =	vld [tilespmem:s16+$0xFFFFFFB0];
	v2 =	vmul.f32 $8.000000000e+00, v5;
	[tilespmem:s16+$0xFFFFFF40] =	vst v0  }
0x6b: {  	v5 =	vmul.f32 $8.000000000e+00, v6;
	[tilespmem:s16+$0xFFFFFF50] =	vst v1;
	v0 =	vld [tilespmem:s16+$0xFFFFFFC0]  }
0x6c: {  	v6 =	vmul.f32 $8.000000000e+00, v7;
	[tilespmem:s16+$0xFFFFFF60] =	vst v2;
	v1 =	vld [tilespmem:s16+$0xFFFFFFD0]  }
0x6d: {  	[tilespmem:s16+$0xFFFFFF70] =	vst v5;
	v2 =	vld [tilespmem:s16+$0xFFFFFFE0];
	v7 =	vmul.f32 $8.000000000e+00, v3  }
0x6e: {  	[tilespmem:s16+$0xFFFFFF80] =	vst v6;
	v3 =	vld [tilespmem:s16+$0xFFFFFFF0];
	v5 =	vmul.f32 $8.000000000e+00, v4  }
0x6f: {  	s20 =	simm.s32 $0x97F0;
	s17 =	sor.u32 $0x1, s15;
	s19 =	simm.s32 $0x0;
	v6 =	vmul.f32 $8.000000000e+00, v8;
	v4 =	vld [tilespmem:s16+$0xFFFFFF10];
	[tilespmem:s16+$0xFFFFFF90] =	vst v7  }
.LBB2_5:
0x70: {  	v7 =	vld [tilespmem:s20+$0x0];
	s19 =	sadd.s32 $0x4, s19;
	[tilespmem:s16+$0xFFFFFFA0] =	vst v5;
	v0 =	vmul.f32 $8.000000000e+00, v0  }
0x71: {  	v5 =	vld [tilespmem:s20+$0xFFFFFF20];
	p1 =	slt.u32 s19, $0xC4;
	[tilespmem:s16+$0xFFFFFFB0] =	vst v6;
	v1 =	vmul.f32 $8.000000000e+00, v1  }
0x72: {  	v6 =	vld [tilespmem:s20+$0xFFFFFF30];
	[tilespmem:s16+$0xFFFFFFC0] =	vst v0;
	v0 =	vmul.f32 $8.000000000e+00, v2  }
0x73: {  	v2 =	vld [tilespmem:s20+$0xFFFFFF40];
	[tilespmem:s16+$0xFFFFFFD0] =	vst v1;
	v1 =	vmul.f32 $8.000000000e+00, v3  }
0x74: {  	v3 =	vld [tilespmem:s20+$0xFFFFFF50];
	v4 =	vmul.f32 $8.000000000e+00, v4;
	[tilespmem:s16+$0xFFFFFFE0] =	vst v0  }
0x75: {  	v0 =	vld [tilespmem:s20+$0xFFFFFF60];
	v7 =	vmul.f32 $8.000000000e+00, v7;
	[tilespmem:s16+$0xFFFFFFF0] =	vst v1  }
0x76: {  	v1 =	vmul.f32 $8.000000000e+00, v5;
	v5 =	vld [tilespmem:s20+$0xFFFFFF70];
	[tilespmem:s16+$0xFFFFFF10] =	vst v4;
	s16 =	smov.u32 s20  }
0x77: {  	v4 =	vmul.f32 $8.000000000e+00, v6;
	v6 =	vld [tilespmem:s20+$0xFFFFFF80];
	[tilespmem:s20+$0x0] =	vst v7  }
0x78: {  	[tilespmem:s20+$0xFFFFFF20] =	vst v1;
	v1 =	vmul.f32 $8.000000000e+00, v2;
	v2 =	vld [tilespmem:s20+$0xFFFFFF90]  }
0x79: {  	[tilespmem:s20+$0xFFFFFF30] =	vst v4;
	v3 =	vmul.f32 $8.000000000e+00, v3;
	v4 =	vld [tilespmem:s20+$0xFFFFFFA0]  }
0x7a: {  	[tilespmem:s20+$0xFFFFFF40] =	vst v1;
	v1 =	vmul.f32 $8.000000000e+00, v0;
	v7 =	vld [tilespmem:s20+$0xFFFFFFB0]  }
.Ltmp1:
0x7b: {  	[tilespmem:s20+$0xFFFFFF50] =	vst v3;
	v3 =	vmul.f32 $8.000000000e+00, v5;
	v0 =	vld [tilespmem:s20+$0xFFFFFFC0];
	(pc) =	sbr.rel @p1 .LBB2_5-.Ltmp1, $4  }
0x7c: {  	[tilespmem:s20+$0xFFFFFF60] =	vst v1;
	v5 =	vmul.f32 $8.000000000e+00, v6;
	v1 =	vld [tilespmem:s20+$0xFFFFFFD0]  }
0x7d: {  	[tilespmem:s20+$0xFFFFFF70] =	vst v3;
	v6 =	vmul.f32 $8.000000000e+00, v2;
	v2 =	vld [tilespmem:s20+$0xFFFFFFE0]  }
0x7e: {  	[tilespmem:s20+$0xFFFFFF80] =	vst v5;
	v5 =	vmul.f32 $8.000000000e+00, v4;
	v3 =	vld [tilespmem:s20+$0xFFFFFFF0]  }
0x7f: {  	s20 =	sadd.s32 $0x100, s20;
	v4 =	vld [tilespmem:s16+$0xFFFFFF10];
	[tilespmem:s16+$0xFFFFFF90] =	vst v6;
	v6 =	vmul.f32 $8.000000000e+00, v7  }
0x80: {  	[tilespmem:s16+$0xFFFFFFA0] =	vst v5;
	v0 =	vmul.f32 $8.000000000e+00, v0  }
0x81: {  	[tilespmem:s16+$0xFFFFFFB0] =	vst v6;
	v1 =	vmul.f32 $8.000000000e+00, v1  }
0x82: {  	[tilespmem:s16+$0xFFFFFFC0] =	vst v0;
	v0 =	vmul.f32 $8.000000000e+00, v2  }
0x83: {  	s17 =	sadd.s32 s3, s17;
	[tilespmem:s16+$0xFFFFFFD0] =	vst v1;
	v1 =	vmul.f32 $8.000000000e+00, v3  }
0x84: {  	s17 =	smul.u32 $0x640, s17;
	v2 =	vmul.f32 $8.000000000e+00, v4;
	[tilespmem:s16+$0xFFFFFFE0] =	vst v0  }
0x85: {  	[tilespmem:s16+$0xFFFFFFF0] =	vst v1  }
0x86: {  	s20 =	sadd.s32 s2, s17;
	[tilespmem:s16+$0xFFFFFF10] =	vst v2;
	s16 =	simm.s32 @!p0 $0x6  }
0x87: {  	[hbm4b:s20+s4] =	stream.linear.scatter [tilespmem:s14], [sflag:$0x6], $0x3200, $0x38;
	[tilespmem:$0x12C00] =	vst v63  }
0x88: {  	_ =	swait.ge @!p0 [sflag:s16], $0x3200  }
0x89: {  	s19 =	simm.s32 @!p0 $0x9600;
	[sflag:s16] =	ssyncset.done @!p0 $0x0  }
0x8a: {  	s17 =	simm.s32 @!p0 $0x68;
	[sflag:s16] =	ssyncadd.s32 @!p0 $0xFFFFCE00;
	s16 =	sadd.s32 @!p0 $0x3E8, s13  }
0x8b: {  	[tilespmem:s19], [sflag:$0x2] =	stream.indirect.gather @!p0 [hbm4b:s5+s17], $0x40, s16, s17, $0xb8;
	[tilespmem:$0x12C00] =	vst v63  }
0x8c: {  	s16 =	sadd.s32 @!p0 $0x450, s13;
	s17 =	simm.s32 @!p0 $0x60;
	s19 =	simm.s32 @!p0 $0xB000  }
0x8d: {  	[tilespmem:s19], [sflag:$0x2] =	stream.indirect.gather @!p0 [hbm4b:s5+s17], $0x40, s16, s17, $0xb8;
	[tilespmem:$0x12C00] =	vst v63  }
0x8e: {  	_ =	swait.ge [sflag:s25], $0x1A00  }
0x8f: {  	[sflag:s25] =	ssyncset.done $0x0  }
0x90: {  	[sflag:s25] =	ssyncadd.s32 $0xFFFFE600  }
0x91: {  	_ =	swait.ge [sflag:s25], $0x1800  }
0x92: {  	[sflag:s25] =	ssyncset.done $0x0  }
0x93: {  	s16 =	simm.s32 $0xC800;
	[sflag:s25] =	ssyncadd.s32 $0xFFFFE800  }
0x94: {  	v0 =	vld [tilespmem:s16+$0xF0]  }
0x95: {  	v1 =	vld [tilespmem:s16+$0x10]  }
0x96: {  	v2 =	vld [tilespmem:s16+$0x20]  }
0x97: {  	v3 =	vld [tilespmem:s16+$0x30]  }
0x98: {  	v4 =	vld [tilespmem:s16+$0x40]  }
0x99: {  	v5 =	vld [tilespmem:s16+$0x50];
	v0 =	vmul.f32 $8.000000000e+00, v0  }
0x9a: {  	v6 =	vld [tilespmem:s16+$0x60];
	v1 =	vmul.f32 $8.000000000e+00, v1  }
0x9b: {  	v7 =	vld [tilespmem:s16+$0x70];
	v2 =	vmul.f32 $8.000000000e+00, v2;
	[tilespmem:s16+$0xF0] =	vst v0  }
0x9c: {  	[tilespmem:s16+$0x10] =	vst v1;
	v0 =	vmul.f32 $8.000000000e+00, v3;
	v3 =	vld [tilespmem:s16+$0x80]  }
0x9d: {  	[tilespmem:s16+$0x20] =	vst v2;
	v1 =	vmul.f32 $8.000000000e+00, v4;
	v4 =	vld [tilespmem:s16+$0x90]  }
0x9e: {  	v8 =	vld [tilespmem:s16+$0xA0];
	v2 =	vmul.f32 $8.000000000e+00, v5;
	[tilespmem:s16+$0x30] =	vst v0  }
0x9f: {  	v5 =	vmul.f32 $8.000000000e+00, v6;
	[tilespmem:s16+$0x40] =	vst v1;
	v0 =	vld [tilespmem:s16+$0xB0]  }
0xa0: {  	v6 =	vmul.f32 $8.000000000e+00, v7;
	[tilespmem:s16+$0x50] =	vst v2;
	v1 =	vld [tilespmem:s16+$0xC0]  }
0xa1: {  	[tilespmem:s16+$0x60] =	vst v5;
	v2 =	vld [tilespmem:s16+$0xD0];
	v7 =	vmul.f32 $8.000000000e+00, v3  }
0xa2: {  	[tilespmem:s16+$0x70] =	vst v6;
	v3 =	vld [tilespmem:s16+$0xE0];
	v5 =	vmul.f32 $8.000000000e+00, v4  }
0xa3: {  	s15 =	sor.u32 $0x2, s15;
	s17 =	simm.s32 $0x0;
	s19 =	simm.s32 $0xC900;
	v6 =	vmul.f32 $8.000000000e+00, v8;
	v4 =	vld [tilespmem:s16+$0x0];
	[tilespmem:s16+$0x80] =	vst v7  }
.LBB2_7:
0xa4: {  	v7 =	vld [tilespmem:s19+$0xF0];
	s17 =	sadd.s32 $0x4, s17;
	[tilespmem:s16+$0x90] =	vst v5;
	v0 =	vmul.f32 $8.000000000e+00, v0  }
0xa5: {  	v5 =	vld [tilespmem:s19+$0x10];
	p1 =	slt.u32 s17, $0xC4;
	[tilespmem:s16+$0xA0] =	vst v6;
	v1 =	vmul.f32 $8.000000000e+00, v1  }
0xa6: {  	v6 =	vld [tilespmem:s19+$0x20];
	[tilespmem:s16+$0xB0] =	vst v0;
	v0 =	vmul.f32 $8.000000000e+00, v2  }
0xa7: {  	v2 =	vld [tilespmem:s19+$0x30];
	[tilespmem:s16+$0xC0] =	vst v1;
	v1 =	vmul.f32 $8.000000000e+00, v3  }
0xa8: {  	v3 =	vld [tilespmem:s19+$0x40];
	v4 =	vmul.f32 $8.000000000e+00, v4;
	[tilespmem:s16+$0xD0] =	vst v0  }
0xa9: {  	v0 =	vld [tilespmem:s19+$0x50];
	v7 =	vmul.f32 $8.000000000e+00, v7;
	[tilespmem:s16+$0xE0] =	vst v1  }
0xaa: {  	v1 =	vmul.f32 $8.000000000e+00, v5;
	v5 =	vld [tilespmem:s19+$0x60];
	[tilespmem:s16+$0x0] =	vst v4;
	s16 =	smov.u32 s19  }
0xab: {  	v4 =	vmul.f32 $8.000000000e+00, v6;
	v6 =	vld [tilespmem:s19+$0x70];
	[tilespmem:s19+$0xF0] =	vst v7  }
0xac: {  	[tilespmem:s19+$0x10] =	vst v1;
	v1 =	vmul.f32 $8.000000000e+00, v2;
	v2 =	vld [tilespmem:s19+$0x80]  }
0xad: {  	[tilespmem:s19+$0x20] =	vst v4;
	v3 =	vmul.f32 $8.000000000e+00, v3;
	v4 =	vld [tilespmem:s19+$0x90]  }
0xae: {  	[tilespmem:s19+$0x30] =	vst v1;
	v1 =	vmul.f32 $8.000000000e+00, v0;
	v7 =	vld [tilespmem:s19+$0xA0]  }
.Ltmp2:
0xaf: {  	[tilespmem:s19+$0x40] =	vst v3;
	v3 =	vmul.f32 $8.000000000e+00, v5;
	v0 =	vld [tilespmem:s19+$0xB0];
	(pc) =	sbr.rel @p1 .LBB2_7-.Ltmp2, $4  }
0xb0: {  	[tilespmem:s19+$0x50] =	vst v1;
	v5 =	vmul.f32 $8.000000000e+00, v6;
	v1 =	vld [tilespmem:s19+$0xC0]  }
0xb1: {  	[tilespmem:s19+$0x60] =	vst v3;
	v6 =	vmul.f32 $8.000000000e+00, v2;
	v2 =	vld [tilespmem:s19+$0xD0]  }
0xb2: {  	[tilespmem:s19+$0x70] =	vst v5;
	v5 =	vmul.f32 $8.000000000e+00, v4;
	v3 =	vld [tilespmem:s19+$0xE0]  }
0xb3: {  	s19 =	sadd.s32 $0x100, s19;
	v4 =	vld [tilespmem:s16+$0x0];
	[tilespmem:s16+$0x80] =	vst v6;
	v6 =	vmul.f32 $8.000000000e+00, v7  }
0xb4: {  	[tilespmem:s16+$0x90] =	vst v5;
	v0 =	vmul.f32 $8.000000000e+00, v0  }
0xb5: {  	[tilespmem:s16+$0xA0] =	vst v6;
	v1 =	vmul.f32 $8.000000000e+00, v1  }
0xb6: {  	[tilespmem:s16+$0xB0] =	vst v0;
	v0 =	vmul.f32 $8.000000000e+00, v2  }
0xb7: {  	s15 =	sadd.s32 s3, s15;
	[tilespmem:s16+$0xC0] =	vst v1;
	v1 =	vmul.f32 $8.000000000e+00, v3  }
0xb8: {  	s15 =	smul.u32 $0x640, s15;
	v2 =	vmul.f32 $8.000000000e+00, v4;
	[tilespmem:s16+$0xD0] =	vst v0  }
0xb9: {  	[tilespmem:s16+$0xE0] =	vst v1  }
0xba: {  	s15 =	sadd.s32 s2, s15;
	[tilespmem:s16+$0x0] =	vst v2  }
0xbb: {  	[hbm4b:s15+s4] =	stream.linear.scatter [tilespmem:s18], [sflag:$0x7], $0x3200, $0x38;
	[tilespmem:$0x12C00] =	vst v63  }
0xbc: {  	s15 =	simm.s32 @!p0 $0x7  }
0xbd: {  	_ =	swait.ge @!p0 [sflag:s15], $0x3200  }
0xbe: {  	s17 =	simm.s32 @!p0 $0xC800;
	[sflag:s15] =	ssyncset.done @!p0 $0x0  }
0xbf: {  	s16 =	simm.s32 @!p0 $0x68;
	[sflag:s15] =	ssyncadd.s32 @!p0 $0xFFFFCE00;
	s15 =	sadd.s32 @!p0 $0x4B0, s13  }
0xc0: {  	[tilespmem:s17], [sflag:$0x3] =	stream.indirect.gather @!p0 [hbm4b:s5+s16], $0x40, s15, s16, $0xb8;
	[tilespmem:$0x12C00] =	vst v63  }
0xc1: {  	s13 =	sadd.s32 @!p0 $0x518, s13;
	s15 =	simm.s32 @!p0 $0x60;
	s16 =	simm.s32 @!p0 $0xE200  }
0xc2: {  	[tilespmem:s16], [sflag:$0x3] =	stream.indirect.gather @!p0 [hbm4b:s5+s15], $0x40, s13, s15, $0xb8;
	[tilespmem:$0x12C00] =	vst v63  }
0xc3: {  	_ =	swait.ge [sflag:s26], $0x1A00  }
0xc4: {  	[sflag:s26] =	ssyncset.done $0x0  }
0xc5: {  	[sflag:s26] =	ssyncadd.s32 $0xFFFFE600  }
0xc6: {  	_ =	swait.ge [sflag:s26], $0x1800  }
0xc7: {  	[sflag:s26] =	ssyncset.done $0x0  }
0xc8: {  	s13 =	simm.s32 $0xFA00;
	[sflag:s26] =	ssyncadd.s32 $0xFFFFE800  }
0xc9: {  	v0 =	vld [tilespmem:s13+$0xF0]  }
0xca: {  	v1 =	vld [tilespmem:s13+$0x10]  }
0xcb: {  	v2 =	vld [tilespmem:s13+$0x20]  }
0xcc: {  	v3 =	vld [tilespmem:s13+$0x30]  }
0xcd: {  	v4 =	vld [tilespmem:s13+$0x40]  }
0xce: {  	v5 =	vld [tilespmem:s13+$0x50];
	v0 =	vmul.f32 $8.000000000e+00, v0  }
0xcf: {  	v6 =	vld [tilespmem:s13+$0x60];
	v1 =	vmul.f32 $8.000000000e+00, v1  }
0xd0: {  	v7 =	vld [tilespmem:s13+$0x70];
	v2 =	vmul.f32 $8.000000000e+00, v2;
	[tilespmem:s13+$0xF0] =	vst v0  }
0xd1: {  	[tilespmem:s13+$0x10] =	vst v1;
	v0 =	vmul.f32 $8.000000000e+00, v3;
	v3 =	vld [tilespmem:s13+$0x80]  }
0xd2: {  	[tilespmem:s13+$0x20] =	vst v2;
	v1 =	vmul.f32 $8.000000000e+00, v4;
	v4 =	vld [tilespmem:s13+$0x90]  }
0xd3: {  	v8 =	vld [tilespmem:s13+$0xA0];
	v2 =	vmul.f32 $8.000000000e+00, v5;
	[tilespmem:s13+$0x30] =	vst v0  }
0xd4: {  	v5 =	vmul.f32 $8.000000000e+00, v6;
	[tilespmem:s13+$0x40] =	vst v1;
	v0 =	vld [tilespmem:s13+$0xB0]  }
0xd5: {  	v6 =	vmul.f32 $8.000000000e+00, v7;
	[tilespmem:s13+$0x50] =	vst v2;
	v1 =	vld [tilespmem:s13+$0xC0]  }
0xd6: {  	[tilespmem:s13+$0x60] =	vst v5;
	v2 =	vld [tilespmem:s13+$0xD0];
	v7 =	vmul.f32 $8.000000000e+00, v3  }
0xd7: {  	[tilespmem:s13+$0x70] =	vst v6;
	v3 =	vld [tilespmem:s13+$0xE0];
	v5 =	vmul.f32 $8.000000000e+00, v4  }
0xd8: {  	s15 =	simm.s32 $0x0;
	s16 =	simm.s32 $0xFB00;
	v6 =	vmul.f32 $8.000000000e+00, v8;
	v4 =	vld [tilespmem:s13+$0x0];
	[tilespmem:s13+$0x80] =	vst v7  }
.LBB2_9:
0xd9: {  	v7 =	vld [tilespmem:s16+$0xF0];
	s15 =	sadd.s32 $0x4, s15;
	[tilespmem:s13+$0x90] =	vst v5;
	v0 =	vmul.f32 $8.000000000e+00, v0  }
0xda: {  	v5 =	vld [tilespmem:s16+$0x10];
	p0 =	slt.u32 s15, $0xC4;
	[tilespmem:s13+$0xA0] =	vst v6;
	v1 =	vmul.f32 $8.000000000e+00, v1  }
0xdb: {  	v6 =	vld [tilespmem:s16+$0x20];
	[tilespmem:s13+$0xB0] =	vst v0;
	v0 =	vmul.f32 $8.000000000e+00, v2  }
0xdc: {  	v2 =	vld [tilespmem:s16+$0x30];
	[tilespmem:s13+$0xC0] =	vst v1;
	v1 =	vmul.f32 $8.000000000e+00, v3  }
0xdd: {  	v3 =	vld [tilespmem:s16+$0x40];
	v4 =	vmul.f32 $8.000000000e+00, v4;
	[tilespmem:s13+$0xD0] =	vst v0  }
0xde: {  	v0 =	vld [tilespmem:s16+$0x50];
	v7 =	vmul.f32 $8.000000000e+00, v7;
	[tilespmem:s13+$0xE0] =	vst v1  }
0xdf: {  	v1 =	vmul.f32 $8.000000000e+00, v5;
	v5 =	vld [tilespmem:s16+$0x60];
	[tilespmem:s13+$0x0] =	vst v4;
	s13 =	smov.u32 s16  }
0xe0: {  	v4 =	vmul.f32 $8.000000000e+00, v6;
	v6 =	vld [tilespmem:s16+$0x70];
	[tilespmem:s16+$0xF0] =	vst v7  }
0xe1: {  	[tilespmem:s16+$0x10] =	vst v1;
	v1 =	vmul.f32 $8.000000000e+00, v2;
	v2 =	vld [tilespmem:s16+$0x80]  }
0xe2: {  	[tilespmem:s16+$0x20] =	vst v4;
	v3 =	vmul.f32 $8.000000000e+00, v3;
	v4 =	vld [tilespmem:s16+$0x90]  }
0xe3: {  	[tilespmem:s16+$0x30] =	vst v1;
	v1 =	vmul.f32 $8.000000000e+00, v0;
	v7 =	vld [tilespmem:s16+$0xA0]  }
.Ltmp3:
0xe4: {  	[tilespmem:s16+$0x40] =	vst v3;
	v3 =	vmul.f32 $8.000000000e+00, v5;
	v0 =	vld [tilespmem:s16+$0xB0];
	(pc) =	sbr.rel @p0 .LBB2_9-.Ltmp3, $4  }
0xe5: {  	[tilespmem:s16+$0x50] =	vst v1;
	v5 =	vmul.f32 $8.000000000e+00, v6;
	v1 =	vld [tilespmem:s16+$0xC0]  }
0xe6: {  	[tilespmem:s16+$0x60] =	vst v3;
	v6 =	vmul.f32 $8.000000000e+00, v2;
	v2 =	vld [tilespmem:s16+$0xD0]  }
0xe7: {  	[tilespmem:s16+$0x70] =	vst v5;
	v5 =	vmul.f32 $8.000000000e+00, v4;
	v3 =	vld [tilespmem:s16+$0xE0]  }
0xe8: {  	s16 =	sadd.s32 $0x100, s16;
	v4 =	vld [tilespmem:s13+$0x0];
	[tilespmem:s13+$0x80] =	vst v6;
	v6 =	vmul.f32 $8.000000000e+00, v7  }
0xe9: {  	[tilespmem:s13+$0x90] =	vst v5;
	v0 =	vmul.f32 $8.000000000e+00, v0  }
0xea: {  	s0 =	sadd.s32 $0x1, s0;
	[tilespmem:s13+$0xA0] =	vst v6;
	v1 =	vmul.f32 $8.000000000e+00, v1  }
0xeb: {  	p0 =	sne.s32 s0, $0x20;
	[tilespmem:s13+$0xB0] =	vst v0;
	v61 =	vmul.f32 $8.000000000e+00, v2  }
.Ltmp4:
0xec: {  	s12 =	sadd.s32 s3, s12;
	[tilespmem:s13+$0xC0] =	vst v1;
	v62 =	vmul.f32 $8.000000000e+00, v3;
	(pc) =	sbr.rel @p0 .LBB2_2-.Ltmp4, $4  }
0xed: {  	s12 =	smul.u32 $0x640, s12;
	v63 =	vmul.f32 $8.000000000e+00, v4;
	[tilespmem:s13+$0xD0] =	vst v61  }
0xee: {  	[tilespmem:s13+$0xE0] =	vst v62  }
0xef: {  	s12 =	sadd.s32 s2, s12;
	[tilespmem:s13+$0x0] =	vst v63  }
0xf0: {  	[hbm4b:s12+s4] =	stream.linear.scatter [tilespmem:s21], [sflag:$0x8], $0x3200, $0x38;
	[tilespmem:$0x12C00] =	vst v63  }
0xf1: {  	_ =	swait.ge [sflag:s28], $0x3200  }
0xf2: {  	[sflag:s28] =	ssyncset.done $0x0  }
0xf3: {  	[sflag:s28] =	ssyncadd.s32 $0xFFFFCE00  }
0xf4: {  	_ =	swait.ge [sflag:s29], $0x3200  }
0xf5: {  	[sflag:s29] =	ssyncset.done $0x0  }
0xf6: {  	s1 =	sadd.s32 $0x1, s1;
	[sflag:s29] =	ssyncadd.s32 $0xFFFFCE00  }
0xf7: {  	p0 =	sne.s32 s1, s7;
	_ =	swait.ge [sflag:s30], $0x3200  }
.Ltmp5:
0xf8: {  	[sflag:s30] =	ssyncset.done $0x0;
	(pc) =	sbr.rel @p0 .LBB2_1-.Ltmp5, $4  }
0xf9: {  	[sflag:s30] =	ssyncadd.s32 $0xFFFFCE00  }
0xfa: {  	_ =	swait.ge [sflag:s31], $0x3200  }
0xfb: {  	[sflag:s31] =	ssyncset.done $0x0  }
0xfc: {  	[sflag:s31] =	ssyncadd.s32 $0xFFFFCE00  }
0xfd: {  	_ =	sfence.sel $0x180000  }
0xfe: {  	[bflag:$0x0] =	sbarrier.arrive $0xFFFF  }
0xff: {  	_ =	strace $0x90000047  }
0x100: {  	s0 =	stileid.u32;
	[bflag:$0x2] =	sbarrier.arrive $0xFFFF  }
0x101: {  	p0 =	sne.s32 s0, $0x0;
	s0 =	rddreg [dreg:$0x2]  }
0x102: {  	s0 =	sadd.s32 @!p0 $0x100000, s0  }
0x103: {  	[sflag:s0] =	ssyncadd.tile.s32 @!p0 $0x1;
	_ =	shalt  }
.Lfunc_end2:
_tile_overlayer_lowered:
.L_overlay_start_2:
0x104: {  	(tag) =	ssettag $0x2  }
0x105: {  	s0 =	rddreg [dreg:$0x0];
	s2 =	stileid.u32  }
0x106: {  	s1 =	rddreg [dreg:$0x1];
	p0 =	sne.s32 s2, $0x0  }
0x107: {  	s3 =	rddreg [dreg:$0x2];
	[bflag:$0x3] =	sbarrier.arrive $0xFFFF;
	s2 =	simm.s32 @!p0 $0x1C09  }
0x108: {  	[timem:s3], [sflag:s2] =	dma.local @!p0 [hbm:s0], s1  }
0x109: {  	s0 =	simm.s32 @!p0 $0x9  }
0x10a: {  	_ =	swait.ge @!p0 [sflag:s0], s1  }
0x10b: {  	s1 =	ssub.s32 @!p0 $0x0, s1;
	[sflag:s0] =	ssyncset.done @!p0 $0x0  }
0x10c: {  	[sflag:s0] =	ssyncadd.s32 @!p0 s1  }
0x10d: {  	[bflag:$0x3] =	sbarrier.arrive $0xFFFF  }
0x10e: {  	_ =	shalt  }

// kernel: sparse-core-data-format-call.cloned.1.call-start
scs
called_computation_lowered:
.L_overlay_start_0:
0x0: {  	s2 =	sld [smem:$0x3FD9]  }
0x1: {  	s3 =	sld [smem:$0x3FFE];
	_ =	sdelay $0x1  }
0x2: {  	s1 =	srdreg.scid  }
0x3: {  	s0 =	sand.u32 $0x1, s1  }
0x4: {  	s18 =	sshll.u32 s0, $0xA;
	s2 =	sadd.s32 s3, s2  }
0x5: {  	s2 =	sadd.s32 s2, s18  }
0x6: {  	[smem:$0x3FC6] =	sst s2  }
0x7: {  	_ = 	snop  }
0x8: {  	s2 =	sld [smem:$0x3FD0];
	(tm) =	ssettm $0x1  }
0x9: {  	s19 =	sld [smem:$0x3FFB];
	_ =	sdelay $0x3  }
0xa: {  	_ =	strace s19  }
0xb: {  	s3 =	sld [smem:$0x3FFC];
	_ =	sdelay $0x3  }
0xc: {  	_ =	strace s3  }
0xd: {  	s3 =	sld [smem:$0x3FFD];
	_ =	sdelay $0x3  }
0xe: {  	_ =	strace s3  }
0xf: {  	_ =	strace $0x8FFFFFFF  }
0x10: {  	s20 =	sld [smem:$0x3FDB];
	_ =	sdelay $0x1  }
0x11: {  	s4 =	simm.s32 $_scs_section_size  }
0x12: {  	s5 =	simm.s32 $_size__tile_overlayer_lowered;
	s6 =	simm.s32 $_tile_overlayer_lowered  }
0x13: {  	s23 =	simm.s32 $0x1BFF;
	s22 =	sshll.u32 s6, $0x1;
	s3 =	sadd.s32 s4, s20  }
0x14: {  	s7 =	simm.s32 $0x0;
	s21 =	sshll.u32 s5, $0x1;
	s5 =	sadd.s32 s22, s3  }
0x15: {  	[timem:s7], [sflag:s23] =	dma.local [hbm:s5], s21  }
0x16: {  	_ =	swait.ge [sflag:s23], s21  }
0x17: {  	s4 =	ssub.s32 $0x0, s21;
	[sflag:s23] =	ssyncset.done $0x0  }
0x18: {  	[sflag:s23] =	ssyncadd.s32 s4;
	_ =	sdelay $0x1  }
0x19: {  	s24 =	simm.s32 $0x1B8B  }
0x1a: {  	_ =	swait.ge [sflag:s24], $0x1  }
0x1b: {  	[sflag:s24] =	ssyncset.done $0x0  }
0x1c: {  	s26 =	simm.s32 $0x1B8E;
	s25 =	sld [smem:$0x3FFE];
	[sflag:s24] =	ssyncadd.s32 $0xFFFFFFFF  }
0x1d: {  	s27 =	simm.s32 $execute0_lowered;
	[smem:$0x3FD2] =	sst s26  }
0x1e: {  	s5 =	sshll.u32 s27, $0x1;
	_ =	strace $0x80000049;
	[dreg:$0x1] =	wrdreg $0xFFFFFFFF  }
0x1f: {  	s28 =	simm.s32 $_size_execute0_lowered;
	s3 =	sadd.s32 s3, s5;
	[dreg:$0x0] =	wrdreg $0x0  }
0x20: {  	s5 =	sshll.u32 s28, $0x1;
	[dreg:$0x2] =	wrdreg s3  }
0x21: {  	[dreg:$0x3] =	wrdreg s5  }
0x22: {  	[dreg:$0x4] =	wrdreg $0xC0  }
0x23: {  	_ =	task [dreg:s7], $0x5FFFF  }
0x24: {  	[dreg:$0x1] =	wrdreg $0xFFFFFFFF  }
0x25: {  	[dreg:$0x0] =	wrdreg $0x60  }
0x26: {  	[dreg:$0x2] =	wrdreg s25  }
0x27: {  	[dreg:$0x3] =	wrdreg s2  }
0x28: {  	[dreg:$0x4] =	wrdreg $0x9  }
0x29: {  	_ =	task.clear_ibuf [dreg:s7], $0x5FFFF;
	_ =	strace $0x90000049  }
0x2a: {  	s29 =	simm.s32 $0x9;
	_ =	strace $0x8000004B  }
0x2b: {  	_ =	swait.ge [sflag:s29], $0x1  }
0x2c: {  	[sflag:s29] =	ssyncadd.s32 $0xFFFFFFFF  }
0x2d: {  	_ =	strace $0x9000004B  }
0x2e: {  	_ =	sfence  }
0x2f: {  	s30 =	sld [smem:$0x0];
	_ =	sdelay $0x2  }
0x30: {  	s31 =	sshll.u32 s1, $0xD;
	s1 =	sshrl.u32 s1, $0x2  }
0x31: {  	s3 =	sand.u32 $0x4000, s31;
	s1 =	sadd.s32 s1, s30  }
0x32: {  	s0 =	sor.u32 s3, s0;
	s1 =	sshll.u32 s1, $0x11  }
0x33: {  	s0 =	sor.u32 s1, s0  }
0x34: {  	s0 =	sadd.s32 $0x8F2B, s0  }
0x35: {  	[sflag:s0] =	ssyncadd.remote.s32 $0x1  }
0x36: {  	_ =	sfence.sel $0xFFFF  }
0x37: {  	[dreg:$0x0] =	wrdreg $0xFFFFFFFF;
	(pc) =	sbr.abs _section_cstart, $3  }
0x38: {  	[dreg:$0x1] =	wrdreg $0xFFFFFFFF  }
0x39: {  	_ =	task.clear_ibuf [dreg:s7], $0x2FFFF;
	_ =	strace $0x9FFFFFFF  }
0x3a: {  	(tm) =	ssettm $0x7FFFFFFF  }
0x3b: {  	_ =	shalt  }
tec
execute0_lowered:
.L_overlay_start_1:
0x0: {  	(tag) =	ssettag $0x1  }
0x1: {  	s0 =	srdreg.scid  }
0x2: {  	s1 =	sshll.u32 s0, $0x4  }
0x3: {  	s0 =	stileid.u32;
	s1 =	sand.u32 $0x10, s1  }
0x4: {  	s1 =	sor.u32 s0, s1  }
0x5: {  	s6 =	rddreg [dreg:$0x0];
	s4 =	simm.s32 $0x1;
	s2 =	sshll.u32 s1, $0x7  }
0x6: {  	s7 =	simm.s32 $0x2;
	s12 =	simm.s32 $0x0;
	s1 =	ssub.s32 $0x1000, s2  }
0x7: {  	s8 =	simm.s32 $0x8000;
	s13 =	simm.s32 $0x0;
	s3 =	sand.u32 $0xF80, s1  }
0x8: {  	s9 =	simm.s32 $0x0;
	s5 =	sshrl.u32 s1, $0xC;
	p0 =	sne.s32 s3, $0x0  }
.Ltmp0:
0x9: {  	s1 =	rddreg [dreg:$0x2];
	s4 =	simm.s32 @!p0 $0x0;
	(pc) =	sbr.rel .LBB1_1-.Ltmp0, $4  }
0xa: {  	s11 =	simm.s32 $0x0;
	s3 =	rddreg [dreg:$0x1];
	s5 =	sadd.s32 s4, s5  }
0xb: {  	_ =	strace $0x8000004A;
	s4 =	simm.s32 $0x1;
	s5 =	smul.u32 $0xC8, s5  }
0xc: {  	s6 =	sadd.s32 $0xA00, s6;
	s10 =	smov.u32 s2;
	[sflag:s4] =	ssyncpa.u1 $0x0  }
0xd: {  	p0 =	por $0x0, $0x0;
	[sflag:s7] =	ssyncpa.u1 $0x0;
	s7 =	sor.u32 $0x1, s5  }
.LBB1_4:
0xe: {  	s16 =	sshll.u32 s13, $0x3;
	s17 =	sand.u32 $0x78, s13  }
0xf: {  	s30 =	sand.u32 $0x7E00, s13;
	s12 =	sshll.u32 s12, $0xF;
	s16 =	sand.u32 $0xC00, s16  }
0x10: {  	[tilespmem:s15+$0x810 ss:$0x81] =	vst.msk $0xffff, v2;
	s31 =	sand.u32 $0x7, s13;
	s16 =	sor.u32 s17, s16;
	s17 =	sadd.s32 s3, s30  }
0x11: {  	[tilespmem:s15+$0x1020 ss:$0x81] =	vst.msk $0xffff, v0;
	s13 =	sshll.u32 s31, $0x12;
	s12 =	sadd.s32 s12, s17;
	s16 =	sshrl.u32 s16, $0x3  }
0x12: {  	[tilespmem:s15+$0x0 ss:$0x81] =	vst.msk $0xffff, v1;
	s13 =	sor.u32 $0x400, s13;
	s12 =	sadd.s32 s16, s12  }
0x13: {  	[hbm4b:s12+s13] =	stream.strided.scatter [tilespmem:s14], [sflag:$0x2], $0x2000, s8, s13, $0x20;
	[tilespmem:$0x8080] =	vst v63  }
.LBB1_5:
0x14: {  	s14 =	sadd.s32 $0x1, s9  }
0x15: {  	s12 =	sadd.s32 $0x1000, s10;
	s16 =	smov.u32 s10;
	p2 =	sgt.s32 s14, $0xC7  }
0x16: {  	s16 =	smov.u32 @p2 s12  }
0x17: {  	s14 =	simm.s32 @p2 $0x0;
	p2 =	sgt.s32 s16, $0xFFF  }
0x18: {  	s16 =	smov.u32 @p2 s2;
	p2 =	sne.s32 s11, s7  }
.Ltmp1:
0x19: {  	p1 =	slt.u32 s11, $0x2;
	(pc) =	sbr.rel @!p2 .LBB1_6-.Ltmp1, $4  }
0x1a: {  	s15 =	simm.s32 @!p1 $0x2  }
0x1b: {  	s13 =	smov.u32 s10;
	p0 =	por !p0, !p0;
	_ =	swait.ge @!p1 [sflag:s15], $0x2000  }
0x1c: {  	s12 =	smov.u32 s9;
	[sflag:s15] =	ssyncset.done @!p1 $0x0;
	s9 =	smov.u32 s14  }
0x1d: {  	s11 =	sadd.s32 $0x1, s11;
	[sflag:s15] =	ssyncadd.s32 @!p1 $0xFFFFE000;
	s10 =	smov.u32 s16  }
.LBB1_1:
0x1e: {  	p1 =	sge.u32 s11, s5  }
0x1f: {  	s14 =	sand.u32 @!p1 $0x1FFFFFF, s9  }
0x20: {  	s15 =	smulhi.u32 @!p1 $0x147AE15, s14;
	_ =	sdelay $0x1  }
0x21: {  	s15 =	smul.u32 @!p1 $0xC8, s15  }
0x22: {  	s16 =	sxor.u32 @!p1 $0xFFFFFFFF, s11;
	s17 =	smul.u32 @!p1 $0xC80, s10  }
0x23: {  	s31 =	sadd.s32 $0xFFFFFFFF, s11;
	s16 =	sshll.u32 @!p1 s16, $0xD;
	s14 =	ssub.s32 @!p1 s14, s15  }
0x24: {  	s15 =	sand.u32 @!p1 $0x2000, s16;
	s16 =	sadd.s32 @!p1 s6, s17;
	s14 =	sshll.u32 @!p1 s14, $0x4  }
0x25: {  	s17 =	simm.s32 @!p1 $0x6400;
	s14 =	sadd.s32 @!p1 s14, s16;
	s16 =	simm.s32 @!p1 $0x40  }
0x26: {  	[tilespmem:s15], [sflag:$0x1] =	stream.strided.gather @!p1 [hbm4b:s14+s16], $0x2000, s17, s16, $0x38;
	[tilespmem:$0x8080] =	vst v63  }
0x27: {  	p1 =	sge.u32 s31, s5  }
.Ltmp2:
0x28: {  	_ = 	snop;
	(pc) =	sbr.rel @p1 .LBB1_5-.Ltmp2, $1  }
0x29: {  	_ =	sdelay $0x3  }
0x2a: {  	s14 =	simm.s32 $0x1  }
0x2b: {  	_ =	swait.ge [sflag:s4], $0x2000;
	s14 =	simm.s32 @!p0 $0x0  }
0x2c: {  	[sflag:s4] =	ssyncset.done $0x0;
	s15 =	sshll.u32 s14, $0xD  }
0x2d: {  	[sflag:s4] =	ssyncadd.s32 $0xFFFFE000;
	s18 =	sor.u32 $0x20, s15  }
0x2e: {  	s14 =	smul.u32 $0x8100, s14;
	v3 =	vld [tilespmem:s18+$0x10]  }
0x2f: {  	s30 =	sand.u32 $0x1, s11;
	v2 =	vld [tilespmem:s18+$0xFFFFFFF0]  }
0x30: {  	s15 =	smul.u32 $0x8100, s30;
	s14 =	sshrl.u32 s14, $0x2;
	v0 =	vld [tilespmem:s18+$0x0]  }
0x31: {  	v1 =	vld [tilespmem:s18+$0xFFFFFFE0];
	s16 =	sor.u32 $0x4000, s14  }
0x32: {  	s31 =	sshrl.u32 s15, $0x2;
	s15 =	sadd.s32 $0x0, s16  }
0x33: {  	s17 =	simm.s32 $0x4;
	s18 =	sadd.s32 $0x40, s18;
	s14 =	sor.u32 $0x4000, s31;
	[tilespmem:s15+$0x1830 ss:$0x81] =	vst.msk $0xffff, v3  }
.LBB1_3:
0x34: {  	v3 =	vld [tilespmem:s18+$0x10];
	p1 =	sne.s32 s17, $0x1FC;
	[tilespmem:s15+$0x810 ss:$0x81] =	vst.msk $0xffff, v2;
	s19 =	smov.u32 s17;
	s17 =	sadd.s32 $0x4, s17  }
.Ltmp3:
0x35: {  	v2 =	vld [tilespmem:s18+$0xFFFFFFF0];
	[tilespmem:s15+$0x1020 ss:$0x81] =	vst.msk $0xffff, v0;
	(pc) =	sbr.rel @p1 .LBB1_3-.Ltmp3, $4  }
0x36: {  	v0 =	vld [tilespmem:s18+$0x0];
	[tilespmem:s15+$0x0 ss:$0x81] =	vst.msk $0xffff, v1  }
0x37: {  	s15 =	sshra.s32 s19, $0x2;
	v1 =	vld [tilespmem:s18+$0xFFFFFFE0]  }
0x38: {  	s15 =	sadd.s32 s15, s16  }
0x39: {  	s18 =	sadd.s32 $0x40, s18;
	[tilespmem:s15+$0x1830 ss:$0x81] =	vst.msk $0xffff, v3  }
.Ltmp4:
0x3a: {  	_ = 	snop;
	(pc) =	sbr.rel .LBB1_4-.Ltmp4, $1  }
0x3b: {  	_ =	sdelay $0x3  }
.LBB1_6:
0x3c: {  	_ =	sfence.sel $0x180000  }
0x3d: {  	s2 =	simm.s32 $0x1;
	[bflag:$0x0] =	sbarrier.arrive $0xFFFF  }
0x3e: {  	s31 =	simm.s32 $0x2;
	[sflag:s2] =	ssyncpa.u1 $0x1  }
0x3f: {  	[sflag:s31] =	ssyncpa.u1 $0x1  }
0x40: {  	p0 =	sne.s32 s0, $0x0;
	_ =	strace $0x9000004A  }
0x41: {  	s0 =	sadd.s32 @!p0 $0x100000, s1;
	[bflag:$0x2] =	sbarrier.arrive $0xFFFF  }
0x42: {  	[sflag:s0] =	ssyncadd.tile.s32 @!p0 $0x1;
	_ =	shalt  }
.Lfunc_end1:
_tile_overlayer_lowered:
.L_overlay_start_2:
0x43: {  	(tag) =	ssettag $0x2  }
0x44: {  	s0 =	rddreg [dreg:$0x0];
	s2 =	stileid.u32  }
0x45: {  	s1 =	rddreg [dreg:$0x1];
	p0 =	sne.s32 s2, $0x0  }
0x46: {  	s3 =	rddreg [dreg:$0x2];
	[bflag:$0x3] =	sbarrier.arrive $0xFFFF;
	s2 =	simm.s32 @!p0 $0x1C01  }
0x47: {  	[timem:s3], [sflag:s2] =	dma.local @!p0 [hbm:s0], s1  }
0x48: {  	s0 =	simm.s32 @!p0 $0x1  }
0x49: {  	_ =	swait.ge @!p0 [sflag:s0], s1  }
0x4a: {  	s1 =	ssub.s32 @!p0 $0x0, s1;
	[sflag:s0] =	ssyncset.done @!p0 $0x0  }
0x4b: {  	[sflag:s0] =	ssyncadd.s32 @!p0 s1  }
0x4c: {  	[bflag:$0x3] =	sbarrier.arrive $0xFFFF  }
0x4d: {  	_ =	shalt  }

</sc_bundles>
